<compile_context>
chip_gen: v7x
topology: tpu7x:2x2x1
jax: 0.10.2.dev20260603
libtpu: 0.0.44.dev20260713+nightly
codegen_flags: <defaults>
</compile_context>

<pallas_src>
import functools

import jax
import jax.numpy as jnp
from jax import lax
from jax.experimental import pallas as pl
from jax.experimental.pallas import tpu as pltpu
from jax.experimental.pallas import tpu_sc as plsc

N = 10000
E = 320000
D = 128
DO = 64
NLAYERS = 3

NC, NS, LANES = 2, 16, 16
NW = NC * NS
CHUNK = 128
CH = -(-E // (NW * CHUNK))
E_PAD = NW * CH * CHUNK
N_PAD = 10240
RZERO = N_PAD // NS

_sc_mesh = plsc.VectorSubcoreMesh(core_axis_name="c", subcore_axis_name="s")


@functools.partial(
    pl.kernel,
    out_type=jax.ShapeDtypeStruct((NC * N_PAD, D), jnp.float32),
    mesh=_sc_mesh,
    scratch_types=[
        pltpu.VMEM_SHARED((N_PAD, D), jnp.float32),
        pltpu.VMEM((CH, CHUNK), jnp.int32),
        pltpu.VMEM((CH, CHUNK), jnp.int32),
        pltpu.VMEM((CHUNK, D), jnp.float32),
        pltpu.SemaphoreType.DMA,
    ],
)
def _sc_aggregate(h_hbm, src_hbm, dst_hbm, out_hbm, acc_sh, src_v, dst_v, rows_v, sem):
    c = lax.axis_index("c")
    s = lax.axis_index("s")
    wid = s * NC + c

    def _zrow(i, carry):
        for j in range(D // LANES):
            rows_v[i, pl.ds(j * LANES, LANES)] = jnp.zeros((LANES,), jnp.float32)
        return carry

    lax.fori_loop(0, CHUNK, _zrow, 0)
    for k in range(RZERO // CHUNK):
        pltpu.sync_copy(rows_v, acc_sh.at[pl.ds(s * RZERO + k * CHUNK, CHUNK)])
    plsc.subcore_barrier()

    pltpu.sync_copy(src_hbm.at[wid], src_v)
    pltpu.sync_copy(dst_hbm.at[wid], dst_v)

    def _body(j, carry):
        pltpu.async_copy(h_hbm.at[src_v.at[j]], rows_v, sem).wait()
        pltpu.sync_copy(rows_v, acc_sh.at[dst_v.at[j]], add=True)
        return carry

    lax.fori_loop(0, CH, _body, 0)
    plsc.subcore_barrier()

    pltpu.sync_copy(
        acc_sh.at[pl.ds(s * RZERO, RZERO)],
        out_hbm.at[pl.ds(c * N_PAD + s * RZERO, RZERO)],
    )


def _tc_in_body(x_ref, w_ref, b_ref, o_ref):
    o_ref[...] = (
        jnp.dot(x_ref[...], w_ref[...], preferred_element_type=jnp.float32)
        + b_ref[0]
    )


_tc_in = pl.pallas_call(
    _tc_in_body, out_shape=jax.ShapeDtypeStruct((N, D), jnp.float32)
)


def _tc_mlp_body(h_ref, agg_ref, eps_ref, w1_ref, b1_ref, w2_ref, b2_ref,
                 g_ref, bb_ref, o_ref):
    z = (1.0 + eps_ref[0, 0]) * h_ref[...] + agg_ref[:N] + agg_ref[N_PAD:N_PAD + N]
    z = jnp.dot(z, w1_ref[...], preferred_element_type=jnp.float32) + b1_ref[0]
    z = jnp.maximum(z, 0.0)
    z = jnp.dot(z, w2_ref[...], preferred_element_type=jnp.float32) + b2_ref[0]
    m = jnp.mean(z, axis=0, keepdims=True)
    v = jnp.mean((z - m) ** 2, axis=0, keepdims=True)
    z = (z - m) * lax.rsqrt(v + 1e-5) * g_ref[0] + bb_ref[0]
    o_ref[...] = jnp.maximum(z, 0.0)


_tc_mlp = pl.pallas_call(
    _tc_mlp_body, out_shape=jax.ShapeDtypeStruct((N, D), jnp.float32)
)


def _tc_head_body(h0_ref, h1_ref, h2_ref, h3_ref, w1_ref, b1_ref, w2_ref,
                  b2_ref, o_ref):
    acc = jnp.dot(h0_ref[...], w1_ref[0:D], preferred_element_type=jnp.float32)
    acc += jnp.dot(h1_ref[...], w1_ref[D:2 * D], preferred_element_type=jnp.float32)
    acc += jnp.dot(h2_ref[...], w1_ref[2 * D:3 * D], preferred_element_type=jnp.float32)
    acc += jnp.dot(h3_ref[...], w1_ref[3 * D:4 * D], preferred_element_type=jnp.float32)
    c = jnp.maximum(acc + b1_ref[0], 0.0)
    o_ref[...] = jnp.dot(c, w2_ref[...], preferred_element_type=jnp.float32) + b2_ref[0]


_tc_head = pl.pallas_call(
    _tc_head_body, out_shape=jax.ShapeDtypeStruct((N, DO), jnp.float32)
)


def kernel(x, edge_index, params):
    src = edge_index[0].astype(jnp.int32)
    dst = edge_index[1].astype(jnp.int32)
    pad = E_PAD - E
    src_p = jnp.concatenate([src, jnp.zeros((pad,), jnp.int32)]).reshape(NW, CH, CHUNK)
    dst_p = jnp.concatenate([dst, jnp.full((pad,), N, jnp.int32)]).reshape(NW, CH, CHUNK)

    h = _tc_in(x, params["W_in"], params["b_in"].reshape(1, D))
    outs = [h]
    for i in range(NLAYERS):
        agg = _sc_aggregate(h, src_p, dst_p)
        h = _tc_mlp(
            h, agg,
            params[f"eps_{i}"].reshape(1, 1),
            params[f"W1_{i}"], params[f"b1_{i}"].reshape(1, D),
            params[f"W2_{i}"], params[f"b2_{i}"].reshape(1, D),
            params[f"bn_gamma_{i}"].reshape(1, D),
            params[f"bn_beta_{i}"].reshape(1, D),
        )
        outs.append(h)
    return _tc_head(
        outs[0], outs[1], outs[2], outs[3],
        params["W_c1"], params["b_c1"].reshape(1, D),
        params["W_c2"], params["b_c2"].reshape(1, DO),
    )

# --- scband reference (transcript-rebuilt; emitter-appended) ---
"""Pipeline reference for scband-ginwith-jk-73907797230234 (READ-ONLY COPY).

The authoritative reference and input builder live on the scoring server;
editing this copy changes nothing except your own understanding.
"""

import jax, jax.numpy as jnp
import numpy as np

N_NODES = 10000
N_EDGES = 320000
D_IN = 128
D_HID = 128
D_OUT = 64
NUM_LAYERS = 3


def setup_inputs(seed: int = 0) -> dict:
    key = jax.random.key(seed)
    ks = jax.random.split(key, 32)
    x = jax.random.normal(ks[0], (N_NODES, D_IN), dtype=jnp.float32)
    edge_index = jax.random.randint(ks[1], (2, N_EDGES), 0, N_NODES, dtype=jnp.int64)
    params = {}
    params['W_in'] = jax.random.normal(ks[2], (D_IN, D_HID), dtype=jnp.float32) * 0.05
    params['b_in'] = jnp.zeros((D_HID,), dtype=jnp.float32)
    ki = 3
    for i in range(NUM_LAYERS):
        params[f'eps_{i}'] = jnp.zeros((), dtype=jnp.float32)
        params[f'W1_{i}'] = jax.random.normal(ks[ki], (D_HID, D_HID), dtype=jnp.float32) * 0.05; ki += 1
        params[f'b1_{i}'] = jnp.zeros((D_HID,), dtype=jnp.float32)
        params[f'W2_{i}'] = jax.random.normal(ks[ki], (D_HID, D_HID), dtype=jnp.float32) * 0.05; ki += 1
        params[f'b2_{i}'] = jnp.zeros((D_HID,), dtype=jnp.float32)
        params[f'bn_gamma_{i}'] = jnp.ones((D_HID,), dtype=jnp.float32)
        params[f'bn_beta_{i}'] = jnp.zeros((D_HID,), dtype=jnp.float32)
    jk_channels = D_HID * (NUM_LAYERS + 1)
    params['W_c1'] = jax.random.normal(ks[ki], (jk_channels, D_HID), dtype=jnp.float32) * 0.05; ki += 1
    params['b_c1'] = jnp.zeros((D_HID,), dtype=jnp.float32)
    params['W_c2'] = jax.random.normal(ks[ki], (D_HID, D_OUT), dtype=jnp.float32) * 0.05; ki += 1
    params['b_c2'] = jnp.zeros((D_OUT,), dtype=jnp.float32)
    return {'x': x, 'edge_index': edge_index, 'params': params}


def _batchnorm(z, gamma, beta, eps=1e-5):
    mean = jnp.mean(z, axis=0, keepdims=True)
    var = jnp.mean((z - mean) ** 2, axis=0, keepdims=True)
    return (z - mean) / jnp.sqrt(var + eps) * gamma + beta


def _forward(x, edge_index, params):
    N = x.shape[0]
    src = edge_index[0]
    dst = edge_index[1]
    h = x @ params['W_in'] + params['b_in']
    layer_outputs = [h]
    for i in range(NUM_LAYERS):
        # GINConv: mlp((1 + eps) * x + sum_{j in N(i)} x_j)
        msg = jnp.take(h, src, axis=0)                      # gather (SparseCore)
        aggr = jax.ops.segment_sum(msg, dst, num_segments=N)  # scatter-add
        z = (1.0 + params[f'eps_{i}']) * h + aggr
        z = z @ params[f'W1_{i}'] + params[f'b1_{i}']
        z = jax.nn.relu(z)
        z = z @ params[f'W2_{i}'] + params[f'b2_{i}']
        z = _batchnorm(z, params[f'bn_gamma_{i}'], params[f'bn_beta_{i}'])
        z = jax.nn.relu(z)
        # dropout is identity in eval mode
        h = z
        layer_outputs.append(h)
    jk = jnp.concatenate(layer_outputs, axis=1)  # 'cat' JK mode
    c = jax.nn.relu(jk @ params['W_c1'] + params['b_c1'])
    out = c @ params['W_c2'] + params['b_c2']
    return out


def reference(x, edge_index, params):
    return _forward(x, edge_index, params)

if __name__ == "__main__":
    import jax
    _d = setup_inputs()
    print(jax.jit(kernel)(*tuple(_d.values())))

</pallas_src>

<mosaic_0001>
#map = affine_map<(d0, d1) -> (0, 0)>
#map1 = affine_map<(d0, d1) -> (0, 0, 0)>
module attributes {stable_mosaic.version = 14 : i64} {
  func.func @_sc_aggregate(%arg0: i32, %arg1: i32, %arg2: memref<10000x128xf32, #tpu.memory_space<hbm>>, %arg3: memref<32x79x128xi32, #tpu.memory_space<hbm>>, %arg4: memref<32x79x128xi32, #tpu.memory_space<hbm>>, %arg5: memref<20480x128xf32, #tpu.memory_space<hbm>>, %arg6: memref<10240x128xf32, #tpu.memory_space<vmem_shared>>, %arg7: memref<79x128xi32, #tpu.memory_space<vmem>>, %arg8: memref<79x128xi32, #tpu.memory_space<vmem>>, %arg9: memref<128x128xf32, #tpu.memory_space<vmem>>, %arg10: memref<!tpu.dma_semaphore, #tpu.memory_space<semaphore_mem>>) attributes {dimension_semantics = [#tpu.dimension_semantics<core_parallel>, #tpu.dimension_semantics<subcore_parallel>], iteration_bounds = array<i64: 2, 16>, scalar_prefetch = 0 : i64, scratch_operands = 5 : i64, tpu.core_type = #tpu.core_type<sc_vector_subcore>, window_params = [{transform_indices = #map}, {transform_indices = #map1}, {transform_indices = #map1}, {transform_indices = #map}]} {
    %mul3A = arith.constant 2 : i32
    %mul3A_0 = arith.muli %arg1, %mul3A : i32
    %add3A = arith.addi %mul3A_0, %arg0 : i32
    %scan3A = arith.constant 0 : i32
    %scan3A_1 = arith.constant 0 : i32
    %scan3A_2 = arith.constant 128 : i32
    %scan3A_3 = arith.addi %scan3A_1, %scan3A_2 : i32
    %scan3A_4 = arith.constant 1 : i32
    scf.for %scan3A_40 = %scan3A_1 to %scan3A_3 step %scan3A_4  : i32 {
      %broadcast_in_dim3A = arith.constant 0.000000e+00 : f32
      %broadcast_in_dim3A_41 = vector.broadcast %broadcast_in_dim3A : f32 to vector<16xf32>
      %swap3A = arith.index_cast %scan3A_40 : i32 to index
      %swap3A_42 = arith.constant 0 : index
      %swap3A_43 = tpu.vector_load %arg9[%swap3A, %swap3A_42] {strides = array<i32>} : memref<128x128xf32, #tpu.memory_space<vmem>>, vector<1x16xf32>,
      %swap3A_44 = vector.shape_cast %swap3A_43 : vector<1x16xf32> to vector<16xf32>
      %swap3A_45 = vector.shape_cast %broadcast_in_dim3A_41 : vector<16xf32> to vector<1x16xf32>
      tpu.vector_store %arg9[%swap3A, %swap3A_42], %swap3A_45 {strides = array<i32>} : memref<128x128xf32, #tpu.memory_space<vmem>>, vector<1x16xf32>,
      %broadcast_in_dim3A_46 = arith.constant 0.000000e+00 : f32
      %broadcast_in_dim3A_47 = vector.broadcast %broadcast_in_dim3A_46 : f32 to vector<16xf32>
      %swap3A_48 = arith.index_cast %scan3A_40 : i32 to index
      %swap3A_49 = arith.constant 16 : index
      %swap3A_50 = tpu.vector_load %arg9[%swap3A_48, %swap3A_49] {strides = array<i32>} : memref<128x128xf32, #tpu.memory_space<vmem>>, vector<1x16xf32>,
      %swap3A_51 = vector.shape_cast %swap3A_50 : vector<1x16xf32> to vector<16xf32>
      %swap3A_52 = vector.shape_cast %broadcast_in_dim3A_47 : vector<16xf32> to vector<1x16xf32>
      tpu.vector_store %arg9[%swap3A_48, %swap3A_49], %swap3A_52 {strides = array<i32>} : memref<128x128xf32, #tpu.memory_space<vmem>>, vector<1x16xf32>,
      %broadcast_in_dim3A_53 = arith.constant 0.000000e+00 : f32
      %broadcast_in_dim3A_54 = vector.broadcast %broadcast_in_dim3A_53 : f32 to vector<16xf32>
      %swap3A_55 = arith.index_cast %scan3A_40 : i32 to index
      %swap3A_56 = arith.constant 32 : index
      %swap3A_57 = tpu.vector_load %arg9[%swap3A_55, %swap3A_56] {strides = array<i32>} : memref<128x128xf32, #tpu.memory_space<vmem>>, vector<1x16xf32>,
      %swap3A_58 = vector.shape_cast %swap3A_57 : vector<1x16xf32> to vector<16xf32>
      %swap3A_59 = vector.shape_cast %broadcast_in_dim3A_54 : vector<16xf32> to vector<1x16xf32>
      tpu.vector_store %arg9[%swap3A_55, %swap3A_56], %swap3A_59 {strides = array<i32>} : memref<128x128xf32, #tpu.memory_space<vmem>>, vector<1x16xf32>,
      %broadcast_in_dim3A_60 = arith.constant 0.000000e+00 : f32
      %broadcast_in_dim3A_61 = vector.broadcast %broadcast_in_dim3A_60 : f32 to vector<16xf32>
      %swap3A_62 = arith.index_cast %scan3A_40 : i32 to index
      %swap3A_63 = arith.constant 48 : index
      %swap3A_64 = tpu.vector_load %arg9[%swap3A_62, %swap3A_63] {strides = array<i32>} : memref<128x128xf32, #tpu.memory_space<vmem>>, vector<1x16xf32>,
      %swap3A_65 = vector.shape_cast %swap3A_64 : vector<1x16xf32> to vector<16xf32>
      %swap3A_66 = vector.shape_cast %broadcast_in_dim3A_61 : vector<16xf32> to vector<1x16xf32>
      tpu.vector_store %arg9[%swap3A_62, %swap3A_63], %swap3A_66 {strides = array<i32>} : memref<128x128xf32, #tpu.memory_space<vmem>>, vector<1x16xf32>,
      %broadcast_in_dim3A_67 = arith.constant 0.000000e+00 : f32
      %broadcast_in_dim3A_68 = vector.broadcast %broadcast_in_dim3A_67 : f32 to vector<16xf32>
      %swap3A_69 = arith.index_cast %scan3A_40 : i32 to index
      %swap3A_70 = arith.constant 64 : index
      %swap3A_71 = tpu.vector_load %arg9[%swap3A_69, %swap3A_70] {strides = array<i32>} : memref<128x128xf32, #tpu.memory_space<vmem>>, vector<1x16xf32>,
      %swap3A_72 = vector.shape_cast %swap3A_71 : vector<1x16xf32> to vector<16xf32>
      %swap3A_73 = vector.shape_cast %broadcast_in_dim3A_68 : vector<16xf32> to vector<1x16xf32>
      tpu.vector_store %arg9[%swap3A_69, %swap3A_70], %swap3A_73 {strides = array<i32>} : memref<128x128xf32, #tpu.memory_space<vmem>>, vector<1x16xf32>,
      %broadcast_in_dim3A_74 = arith.constant 0.000000e+00 : f32
      %broadcast_in_dim3A_75 = vector.broadcast %broadcast_in_dim3A_74 : f32 to vector<16xf32>
      %swap3A_76 = arith.index_cast %scan3A_40 : i32 to index
      %swap3A_77 = arith.constant 80 : index
      %swap3A_78 = tpu.vector_load %arg9[%swap3A_76, %swap3A_77] {strides = array<i32>} : memref<128x128xf32, #tpu.memory_space<vmem>>, vector<1x16xf32>,
      %swap3A_79 = vector.shape_cast %swap3A_78 : vector<1x16xf32> to vector<16xf32>
      %swap3A_80 = vector.shape_cast %broadcast_in_dim3A_75 : vector<16xf32> to vector<1x16xf32>
      tpu.vector_store %arg9[%swap3A_76, %swap3A_77], %swap3A_80 {strides = array<i32>} : memref<128x128xf32, #tpu.memory_space<vmem>>, vector<1x16xf32>,
      %broadcast_in_dim3A_81 = arith.constant 0.000000e+00 : f32
      %broadcast_in_dim3A_82 = vector.broadcast %broadcast_in_dim3A_81 : f32 to vector<16xf32>
      %swap3A_83 = arith.index_cast %scan3A_40 : i32 to index
      %swap3A_84 = arith.constant 96 : index
      %swap3A_85 = tpu.vector_load %arg9[%swap3A_83, %swap3A_84] {strides = array<i32>} : memref<128x128xf32, #tpu.memory_space<vmem>>, vector<1x16xf32>,
      %swap3A_86 = vector.shape_cast %swap3A_85 : vector<1x16xf32> to vector<16xf32>
      %swap3A_87 = vector.shape_cast %broadcast_in_dim3A_82 : vector<16xf32> to vector<1x16xf32>
      tpu.vector_store %arg9[%swap3A_83, %swap3A_84], %swap3A_87 {strides = array<i32>} : memref<128x128xf32, #tpu.memory_space<vmem>>, vector<1x16xf32>,
      %broadcast_in_dim3A_88 = arith.constant 0.000000e+00 : f32
      %broadcast_in_dim3A_89 = vector.broadcast %broadcast_in_dim3A_88 : f32 to vector<16xf32>
      %swap3A_90 = arith.index_cast %scan3A_40 : i32 to index
      %swap3A_91 = arith.constant 112 : index
      %swap3A_92 = tpu.vector_load %arg9[%swap3A_90, %swap3A_91] {strides = array<i32>} : memref<128x128xf32, #tpu.memory_space<vmem>>, vector<1x16xf32>,
      %swap3A_93 = vector.shape_cast %swap3A_92 : vector<1x16xf32> to vector<16xf32>
      %swap3A_94 = vector.shape_cast %broadcast_in_dim3A_89 : vector<16xf32> to vector<1x16xf32>
      tpu.vector_store %arg9[%swap3A_90, %swap3A_91], %swap3A_94 {strides = array<i32>} : memref<128x128xf32, #tpu.memory_space<vmem>>, vector<1x16xf32>,
    }
    %scan3A_5 = arith.constant 128 : i32
    %mul3A_6 = arith.constant 640 : i32
    %mul3A_7 = arith.muli %arg1, %mul3A_6 : i32
    %add3A_8 = arith.constant 0 : i32
    %add3A_9 = arith.addi %mul3A_7, %add3A_8 : i32
    "tpu.region"() ({
      %run_scoped3A = tpu.sem_alloc : memref<!tpu.dma_semaphore, #tpu.memory_space<semaphore_mem>>
      %dma_start3A = arith.constant 0 : i32
      %dma_start3A_40 = tpu.memref_slice %arg6[%add3A_9, %dma_start3A] : memref<10240x128xf32, #tpu.memory_space<vmem_shared>> -> memref<128x128xf32, #tpu.memory_space<vmem_shared>>
      %dma_start3A_41 = arith.constant 0 : i32
      %dma_start3A_42 = tpu.memref_slice %arg6[%add3A_9, %dma_start3A_41] : memref<10240x128xf32, #tpu.memory_space<vmem_shared>> -> memref<128x128xf32, #tpu.memory_space<vmem_shared>>
      tpu.enqueue_dma source(%arg9 : memref<128x128xf32, #tpu.memory_space<vmem>>) target(%dma_start3A_42 : memref<128x128xf32, #tpu.memory_space<vmem_shared>>) target_semaphore(%run_scoped3A : memref<!tpu.dma_semaphore, #tpu.memory_space<semaphore_mem>>)
      %dma_wait3A = arith.constant 0 : i32
      %dma_wait3A_43 = tpu.memref_slice %arg6[%add3A_9, %dma_wait3A] : memref<10240x128xf32, #tpu.memory_space<vmem_shared>> -> memref<128x128xf32, #tpu.memory_space<vmem_shared>>
      %dma_wait3A_44 = arith.constant 0 : i32
      %dma_wait3A_45 = tpu.memref_slice %arg6[%add3A_9, %dma_wait3A_44] : memref<10240x128xf32, #tpu.memory_space<vmem_shared>> -> memref<128x128xf32, #tpu.memory_space<vmem_shared>>
      tpu.wait_dma2 semaphore(%run_scoped3A : memref<!tpu.dma_semaphore, #tpu.memory_space<semaphore_mem>>) src(%arg9 : memref<128x128xf32, #tpu.memory_space<vmem>>) dst(%dma_wait3A_45 : memref<128x128xf32, #tpu.memory_space<vmem_shared>>)
      tpu.yield
    }) : () -> ()
    %mul3A_10 = arith.constant 640 : i32
    %mul3A_11 = arith.muli %arg1, %mul3A_10 : i32
    %add3A_12 = arith.constant 128 : i32
    %add3A_13 = arith.addi %mul3A_11, %add3A_12 : i32
    "tpu.region"() ({
      %run_scoped3A = tpu.sem_alloc : memref<!tpu.dma_semaphore, #tpu.memory_space<semaphore_mem>>
      %dma_start3A = arith.constant 0 : i32
      %dma_start3A_40 = tpu.memref_slice %arg6[%add3A_13, %dma_start3A] : memref<10240x128xf32, #tpu.memory_space<vmem_shared>> -> memref<128x128xf32, #tpu.memory_space<vmem_shared>>
      %dma_start3A_41 = arith.constant 0 : i32
      %dma_start3A_42 = tpu.memref_slice %arg6[%add3A_13, %dma_start3A_41] : memref<10240x128xf32, #tpu.memory_space<vmem_shared>> -> memref<128x128xf32, #tpu.memory_space<vmem_shared>>
      tpu.enqueue_dma source(%arg9 : memref<128x128xf32, #tpu.memory_space<vmem>>) target(%dma_start3A_42 : memref<128x128xf32, #tpu.memory_space<vmem_shared>>) target_semaphore(%run_scoped3A : memref<!tpu.dma_semaphore, #tpu.memory_space<semaphore_mem>>)
      %dma_wait3A = arith.constant 0 : i32
      %dma_wait3A_43 = tpu.memref_slice %arg6[%add3A_13, %dma_wait3A] : memref<10240x128xf32, #tpu.memory_space<vmem_shared>> -> memref<128x128xf32, #tpu.memory_space<vmem_shared>>
      %dma_wait3A_44 = arith.constant 0 : i32
      %dma_wait3A_45 = tpu.memref_slice %arg6[%add3A_13, %dma_wait3A_44] : memref<10240x128xf32, #tpu.memory_space<vmem_shared>> -> memref<128x128xf32, #tpu.memory_space<vmem_shared>>
      tpu.wait_dma2 semaphore(%run_scoped3A : memref<!tpu.dma_semaphore, #tpu.memory_space<semaphore_mem>>) src(%arg9 : memref<128x128xf32, #tpu.memory_space<vmem>>) dst(%dma_wait3A_45 : memref<128x128xf32, #tpu.memory_space<vmem_shared>>)
      tpu.yield
    }) : () -> ()
    %mul3A_14 = arith.constant 640 : i32
    %mul3A_15 = arith.muli %arg1, %mul3A_14 : i32
    %add3A_16 = arith.constant 256 : i32
    %add3A_17 = arith.addi %mul3A_15, %add3A_16 : i32
    "tpu.region"() ({
      %run_scoped3A = tpu.sem_alloc : memref<!tpu.dma_semaphore, #tpu.memory_space<semaphore_mem>>
      %dma_start3A = arith.constant 0 : i32
      %dma_start3A_40 = tpu.memref_slice %arg6[%add3A_17, %dma_start3A] : memref<10240x128xf32, #tpu.memory_space<vmem_shared>> -> memref<128x128xf32, #tpu.memory_space<vmem_shared>>
      %dma_start3A_41 = arith.constant 0 : i32
      %dma_start3A_42 = tpu.memref_slice %arg6[%add3A_17, %dma_start3A_41] : memref<10240x128xf32, #tpu.memory_space<vmem_shared>> -> memref<128x128xf32, #tpu.memory_space<vmem_shared>>
      tpu.enqueue_dma source(%arg9 : memref<128x128xf32, #tpu.memory_space<vmem>>) target(%dma_start3A_42 : memref<128x128xf32, #tpu.memory_space<vmem_shared>>) target_semaphore(%run_scoped3A : memref<!tpu.dma_semaphore, #tpu.memory_space<semaphore_mem>>)
      %dma_wait3A = arith.constant 0 : i32
      %dma_wait3A_43 = tpu.memref_slice %arg6[%add3A_17, %dma_wait3A] : memref<10240x128xf32, #tpu.memory_space<vmem_shared>> -> memref<128x128xf32, #tpu.memory_space<vmem_shared>>
      %dma_wait3A_44 = arith.constant 0 : i32
      %dma_wait3A_45 = tpu.memref_slice %arg6[%add3A_17, %dma_wait3A_44] : memref<10240x128xf32, #tpu.memory_space<vmem_shared>> -> memref<128x128xf32, #tpu.memory_space<vmem_shared>>
      tpu.wait_dma2 semaphore(%run_scoped3A : memref<!tpu.dma_semaphore, #tpu.memory_space<semaphore_mem>>) src(%arg9 : memref<128x128xf32, #tpu.memory_space<vmem>>) dst(%dma_wait3A_45 : memref<128x128xf32, #tpu.memory_space<vmem_shared>>)
      tpu.yield
    }) : () -> ()
    %mul3A_18 = arith.constant 640 : i32
    %mul3A_19 = arith.muli %arg1, %mul3A_18 : i32
    %add3A_20 = arith.constant 384 : i32
    %add3A_21 = arith.addi %mul3A_19, %add3A_20 : i32
    "tpu.region"() ({
      %run_scoped3A = tpu.sem_alloc : memref<!tpu.dma_semaphore, #tpu.memory_space<semaphore_mem>>
      %dma_start3A = arith.constant 0 : i32
      %dma_start3A_40 = tpu.memref_slice %arg6[%add3A_21, %dma_start3A] : memref<10240x128xf32, #tpu.memory_space<vmem_shared>> -> memref<128x128xf32, #tpu.memory_space<vmem_shared>>
      %dma_start3A_41 = arith.constant 0 : i32
      %dma_start3A_42 = tpu.memref_slice %arg6[%add3A_21, %dma_start3A_41] : memref<10240x128xf32, #tpu.memory_space<vmem_shared>> -> memref<128x128xf32, #tpu.memory_space<vmem_shared>>
      tpu.enqueue_dma source(%arg9 : memref<128x128xf32, #tpu.memory_space<vmem>>) target(%dma_start3A_42 : memref<128x128xf32, #tpu.memory_space<vmem_shared>>) target_semaphore(%run_scoped3A : memref<!tpu.dma_semaphore, #tpu.memory_space<semaphore_mem>>)
      %dma_wait3A = arith.constant 0 : i32
      %dma_wait3A_43 = tpu.memref_slice %arg6[%add3A_21, %dma_wait3A] : memref<10240x128xf32, #tpu.memory_space<vmem_shared>> -> memref<128x128xf32, #tpu.memory_space<vmem_shared>>
      %dma_wait3A_44 = arith.constant 0 : i32
      %dma_wait3A_45 = tpu.memref_slice %arg6[%add3A_21, %dma_wait3A_44] : memref<10240x128xf32, #tpu.memory_space<vmem_shared>> -> memref<128x128xf32, #tpu.memory_space<vmem_shared>>
      tpu.wait_dma2 semaphore(%run_scoped3A : memref<!tpu.dma_semaphore, #tpu.memory_space<semaphore_mem>>) src(%arg9 : memref<128x128xf32, #tpu.memory_space<vmem>>) dst(%dma_wait3A_45 : memref<128x128xf32, #tpu.memory_space<vmem_shared>>)
      tpu.yield
    }) : () -> ()
    %mul3A_22 = arith.constant 640 : i32
    %mul3A_23 = arith.muli %arg1, %mul3A_22 : i32
    %add3A_24 = arith.constant 512 : i32
    %add3A_25 = arith.addi %mul3A_23, %add3A_24 : i32
    "tpu.region"() ({
      %run_scoped3A = tpu.sem_alloc : memref<!tpu.dma_semaphore, #tpu.memory_space<semaphore_mem>>
      %dma_start3A = arith.constant 0 : i32
      %dma_start3A_40 = tpu.memref_slice %arg6[%add3A_25, %dma_start3A] : memref<10240x128xf32, #tpu.memory_space<vmem_shared>> -> memref<128x128xf32, #tpu.memory_space<vmem_shared>>
      %dma_start3A_41 = arith.constant 0 : i32
      %dma_start3A_42 = tpu.memref_slice %arg6[%add3A_25, %dma_start3A_41] : memref<10240x128xf32, #tpu.memory_space<vmem_shared>> -> memref<128x128xf32, #tpu.memory_space<vmem_shared>>
      tpu.enqueue_dma source(%arg9 : memref<128x128xf32, #tpu.memory_space<vmem>>) target(%dma_start3A_42 : memref<128x128xf32, #tpu.memory_space<vmem_shared>>) target_semaphore(%run_scoped3A : memref<!tpu.dma_semaphore, #tpu.memory_space<semaphore_mem>>)
      %dma_wait3A = arith.constant 0 : i32
      %dma_wait3A_43 = tpu.memref_slice %arg6[%add3A_25, %dma_wait3A] : memref<10240x128xf32, #tpu.memory_space<vmem_shared>> -> memref<128x128xf32, #tpu.memory_space<vmem_shared>>
      %dma_wait3A_44 = arith.constant 0 : i32
      %dma_wait3A_45 = tpu.memref_slice %arg6[%add3A_25, %dma_wait3A_44] : memref<10240x128xf32, #tpu.memory_space<vmem_shared>> -> memref<128x128xf32, #tpu.memory_space<vmem_shared>>
      tpu.wait_dma2 semaphore(%run_scoped3A : memref<!tpu.dma_semaphore, #tpu.memory_space<semaphore_mem>>) src(%arg9 : memref<128x128xf32, #tpu.memory_space<vmem>>) dst(%dma_wait3A_45 : memref<128x128xf32, #tpu.memory_space<vmem_shared>>)
      tpu.yield
    }) : () -> ()
    %barrier3A = arith.constant 0 : index
    tpu.barrier barrier_id(%barrier3A)
    "tpu.region"() ({
      %run_scoped3A = tpu.sem_alloc : memref<!tpu.dma_semaphore, #tpu.memory_space<semaphore_mem>>
      %dma_start3A = arith.constant 0 : i32
      %dma_start3A_40 = arith.constant 0 : i32
      %dma_start3A_41 = tpu.memref_slice %arg3[%add3A, %dma_start3A, %dma_start3A_40] : memref<32x79x128xi32, #tpu.memory_space<hbm>> -> memref<1x79x128xi32, #tpu.memory_space<hbm>>
      %dma_start3A_42 = tpu.memref_squeeze %dma_start3A_41 : memref<1x79x128xi32, #tpu.memory_space<hbm>> -> memref<79x128xi32, #tpu.memory_space<hbm>>
      %dma_start3A_43 = arith.constant 0 : i32
      %dma_start3A_44 = arith.constant 0 : i32
      %dma_start3A_45 = tpu.memref_slice %arg3[%add3A, %dma_start3A_43, %dma_start3A_44] : memref<32x79x128xi32, #tpu.memory_space<hbm>> -> memref<1x79x128xi32, #tpu.memory_space<hbm>>
      %dma_start3A_46 = tpu.memref_squeeze %dma_start3A_45 : memref<1x79x128xi32, #tpu.memory_space<hbm>> -> memref<79x128xi32, #tpu.memory_space<hbm>>
      tpu.enqueue_dma source(%dma_start3A_46 : memref<79x128xi32, #tpu.memory_space<hbm>>) target(%arg7 : memref<79x128xi32, #tpu.memory_space<vmem>>) target_semaphore(%run_scoped3A : memref<!tpu.dma_semaphore, #tpu.memory_space<semaphore_mem>>)
      %dma_wait3A = arith.constant 0 : i32
      %dma_wait3A_47 = arith.constant 0 : i32
      %dma_wait3A_48 = tpu.memref_slice %arg3[%add3A, %dma_wait3A, %dma_wait3A_47] : memref<32x79x128xi32, #tpu.memory_space<hbm>> -> memref<1x79x128xi32, #tpu.memory_space<hbm>>
      %dma_wait3A_49 = tpu.memref_squeeze %dma_wait3A_48 : memref<1x79x128xi32, #tpu.memory_space<hbm>> -> memref<79x128xi32, #tpu.memory_space<hbm>>
      %dma_wait3A_50 = arith.constant 0 : i32
      %dma_wait3A_51 = arith.constant 0 : i32
      %dma_wait3A_52 = tpu.memref_slice %arg3[%add3A, %dma_wait3A_50, %dma_wait3A_51] : memref<32x79x128xi32, #tpu.memory_space<hbm>> -> memref<1x79x128xi32, #tpu.memory_space<hbm>>
      %dma_wait3A_53 = tpu.memref_squeeze %dma_wait3A_52 : memref<1x79x128xi32, #tpu.memory_space<hbm>> -> memref<79x128xi32, #tpu.memory_space<hbm>>
      tpu.wait_dma2 semaphore(%run_scoped3A : memref<!tpu.dma_semaphore, #tpu.memory_space<semaphore_mem>>) src(%dma_wait3A_53 : memref<79x128xi32, #tpu.memory_space<hbm>>) dst(%arg7 : memref<79x128xi32, #tpu.memory_space<vmem>>)
      tpu.yield
    }) : () -> ()
    "tpu.region"() ({
      %run_scoped3A = tpu.sem_alloc : memref<!tpu.dma_semaphore, #tpu.memory_space<semaphore_mem>>
      %dma_start3A = arith.constant 0 : i32
      %dma_start3A_40 = arith.constant 0 : i32
      %dma_start3A_41 = tpu.memref_slice %arg4[%add3A, %dma_start3A, %dma_start3A_40] : memref<32x79x128xi32, #tpu.memory_space<hbm>> -> memref<1x79x128xi32, #tpu.memory_space<hbm>>
      %dma_start3A_42 = tpu.memref_squeeze %dma_start3A_41 : memref<1x79x128xi32, #tpu.memory_space<hbm>> -> memref<79x128xi32, #tpu.memory_space<hbm>>
      %dma_start3A_43 = arith.constant 0 : i32
      %dma_start3A_44 = arith.constant 0 : i32
      %dma_start3A_45 = tpu.memref_slice %arg4[%add3A, %dma_start3A_43, %dma_start3A_44] : memref<32x79x128xi32, #tpu.memory_space<hbm>> -> memref<1x79x128xi32, #tpu.memory_space<hbm>>
      %dma_start3A_46 = tpu.memref_squeeze %dma_start3A_45 : memref<1x79x128xi32, #tpu.memory_space<hbm>> -> memref<79x128xi32, #tpu.memory_space<hbm>>
      tpu.enqueue_dma source(%dma_start3A_46 : memref<79x128xi32, #tpu.memory_space<hbm>>) target(%arg8 : memref<79x128xi32, #tpu.memory_space<vmem>>) target_semaphore(%run_scoped3A : memref<!tpu.dma_semaphore, #tpu.memory_space<semaphore_mem>>)
      %dma_wait3A = arith.constant 0 : i32
      %dma_wait3A_47 = arith.constant 0 : i32
      %dma_wait3A_48 = tpu.memref_slice %arg4[%add3A, %dma_wait3A, %dma_wait3A_47] : memref<32x79x128xi32, #tpu.memory_space<hbm>> -> memref<1x79x128xi32, #tpu.memory_space<hbm>>
      %dma_wait3A_49 = tpu.memref_squeeze %dma_wait3A_48 : memref<1x79x128xi32, #tpu.memory_space<hbm>> -> memref<79x128xi32, #tpu.memory_space<hbm>>
      %dma_wait3A_50 = arith.constant 0 : i32
      %dma_wait3A_51 = arith.constant 0 : i32
      %dma_wait3A_52 = tpu.memref_slice %arg4[%add3A, %dma_wait3A_50, %dma_wait3A_51] : memref<32x79x128xi32, #tpu.memory_space<hbm>> -> memref<1x79x128xi32, #tpu.memory_space<hbm>>
      %dma_wait3A_53 = tpu.memref_squeeze %dma_wait3A_52 : memref<1x79x128xi32, #tpu.memory_space<hbm>> -> memref<79x128xi32, #tpu.memory_space<hbm>>
      tpu.wait_dma2 semaphore(%run_scoped3A : memref<!tpu.dma_semaphore, #tpu.memory_space<semaphore_mem>>) src(%dma_wait3A_53 : memref<79x128xi32, #tpu.memory_space<hbm>>) dst(%arg8 : memref<79x128xi32, #tpu.memory_space<vmem>>)
      tpu.yield
    }) : () -> ()
    %scan3A_26 = arith.constant 0 : i32
    %scan3A_27 = arith.constant 0 : i32
    %scan3A_28 = arith.constant 79 : i32
    %scan3A_29 = arith.addi %scan3A_27, %scan3A_28 : i32
    %scan3A_30 = arith.constant 1 : i32
    scf.for %scan3A_40 = %scan3A_27 to %scan3A_29 step %scan3A_30  : i32 {
      %dma_start3A = arith.constant 0 : i32
      %dma_start3A_41 = tpu.memref_slice %arg7[%scan3A_40, %dma_start3A] : memref<79x128xi32, #tpu.memory_space<vmem>> -> memref<1x128xi32, #tpu.memory_space<vmem>>
      %dma_start3A_42 = tpu.memref_squeeze %dma_start3A_41 : memref<1x128xi32, #tpu.memory_space<vmem>> -> memref<128xi32, #tpu.memory_space<vmem>>
      %dma_start3A_43 = arith.constant 0 : i32
      %dma_start3A_44 = arith.constant 0 : i32
      %dma_start3A_45 = tpu.memref_slice %arg2[%dma_start3A_43, %dma_start3A_44] : memref<10000x128xf32, #tpu.memory_space<hbm>> -> memref<10000x128xf32, #tpu.memory_space<hbm>>
      tpu.enqueue_indirect_dma source(%dma_start3A_45 : memref<10000x128xf32, #tpu.memory_space<hbm>>) target(%arg9 : memref<128x128xf32, #tpu.memory_space<vmem>>) offsets(%dma_start3A_42 : memref<128xi32, #tpu.memory_space<vmem>>) semaphore(%arg10 : memref<!tpu.dma_semaphore, #tpu.memory_space<semaphore_mem>>)
      %dma_wait3A = arith.constant 0 : i32
      %dma_wait3A_46 = tpu.memref_slice %arg7[%scan3A_40, %dma_wait3A] : memref<79x128xi32, #tpu.memory_space<vmem>> -> memref<1x128xi32, #tpu.memory_space<vmem>>
      %dma_wait3A_47 = tpu.memref_squeeze %dma_wait3A_46 : memref<1x128xi32, #tpu.memory_space<vmem>> -> memref<128xi32, #tpu.memory_space<vmem>>
      %dma_wait3A_48 = arith.constant 0 : i32
      %dma_wait3A_49 = arith.constant 0 : i32
      %dma_wait3A_50 = tpu.memref_slice %arg2[%dma_wait3A_48, %dma_wait3A_49] : memref<10000x128xf32, #tpu.memory_space<hbm>> -> memref<10000x128xf32, #tpu.memory_space<hbm>>
      tpu.wait_indirect_dma semaphore(%arg10 : memref<!tpu.dma_semaphore, #tpu.memory_space<semaphore_mem>>) src(%dma_wait3A_50 : memref<10000x128xf32, #tpu.memory_space<hbm>>) dst(%arg9 : memref<128x128xf32, #tpu.memory_space<vmem>>)
      "tpu.region"() ({
        %run_scoped3A = tpu.sem_alloc : memref<!tpu.dma_semaphore, #tpu.memory_space<semaphore_mem>>
        %dma_start3A_51 = arith.constant 0 : i32
        %dma_start3A_52 = tpu.memref_slice %arg8[%scan3A_40, %dma_start3A_51] : memref<79x128xi32, #tpu.memory_space<vmem>> -> memref<1x128xi32, #tpu.memory_space<vmem>>
        %dma_start3A_53 = tpu.memref_squeeze %dma_start3A_52 : memref<1x128xi32, #tpu.memory_space<vmem>> -> memref<128xi32, #tpu.memory_space<vmem>>
        %dma_start3A_54 = arith.constant 0 : i32
        %dma_start3A_55 = arith.constant 0 : i32
        %dma_start3A_56 = tpu.memref_slice %arg6[%dma_start3A_54, %dma_start3A_55] : memref<10240x128xf32, #tpu.memory_space<vmem_shared>> -> memref<10240x128xf32, #tpu.memory_space<vmem_shared>>
        tpu.enqueue_indirect_dma source(%arg9 : memref<128x128xf32, #tpu.memory_space<vmem>>) target(%dma_start3A_56 : memref<10240x128xf32, #tpu.memory_space<vmem_shared>>) offsets(%dma_start3A_53 : memref<128xi32, #tpu.memory_space<vmem>>) semaphore(%run_scoped3A : memref<!tpu.dma_semaphore, #tpu.memory_space<semaphore_mem>>) {add = true}
        %dma_wait3A_57 = arith.constant 0 : i32
        %dma_wait3A_58 = tpu.memref_slice %arg8[%scan3A_40, %dma_wait3A_57] : memref<79x128xi32, #tpu.memory_space<vmem>> -> memref<1x128xi32, #tpu.memory_space<vmem>>
        %dma_wait3A_59 = tpu.memref_squeeze %dma_wait3A_58 : memref<1x128xi32, #tpu.memory_space<vmem>> -> memref<128xi32, #tpu.memory_space<vmem>>
        %dma_wait3A_60 = arith.constant 0 : i32
        %dma_wait3A_61 = arith.constant 0 : i32
        %dma_wait3A_62 = tpu.memref_slice %arg6[%dma_wait3A_60, %dma_wait3A_61] : memref<10240x128xf32, #tpu.memory_space<vmem_shared>> -> memref<10240x128xf32, #tpu.memory_space<vmem_shared>>
        tpu.wait_indirect_dma semaphore(%run_scoped3A : memref<!tpu.dma_semaphore, #tpu.memory_space<semaphore_mem>>) src(%arg9 : memref<128x128xf32, #tpu.memory_space<vmem>>) dst(%dma_wait3A_62 : memref<10240x128xf32, #tpu.memory_space<vmem_shared>>)
        tpu.yield
      }) : () -> ()
    }
    %scan3A_31 = arith.constant 79 : i32
    %barrier3A_32 = arith.constant 0 : index
    tpu.barrier barrier_id(%barrier3A_32)
    %mul3A_33 = arith.constant 640 : i32
    %mul3A_34 = arith.muli %arg1, %mul3A_33 : i32
    %mul3A_35 = arith.constant 10240 : i32
    %mul3A_36 = arith.muli %arg0, %mul3A_35 : i32
    %mul3A_37 = arith.constant 640 : i32
    %mul3A_38 = arith.muli %arg1, %mul3A_37 : i32
    %add3A_39 = arith.addi %mul3A_36, %mul3A_38 : i32
    "tpu.region"() ({
      %run_scoped3A = tpu.sem_alloc : memref<!tpu.dma_semaphore, #tpu.memory_space<semaphore_mem>>
      %dma_start3A = arith.constant 0 : i32
      %dma_start3A_40 = tpu.memref_slice %arg5[%add3A_39, %dma_start3A] : memref<20480x128xf32, #tpu.memory_space<hbm>> -> memref<640x128xf32, #tpu.memory_space<hbm>>
      %dma_start3A_41 = arith.constant 0 : i32
      %dma_start3A_42 = tpu.memref_slice %arg6[%mul3A_34, %dma_start3A_41] : memref<10240x128xf32, #tpu.memory_space<vmem_shared>> -> memref<640x128xf32, #tpu.memory_space<vmem_shared>>
      tpu.enqueue_dma source(%dma_start3A_42 : memref<640x128xf32, #tpu.memory_space<vmem_shared>>) target(%dma_start3A_40 : memref<640x128xf32, #tpu.memory_space<hbm>>) target_semaphore(%run_scoped3A : memref<!tpu.dma_semaphore, #tpu.memory_space<semaphore_mem>>)
      %dma_wait3A = arith.constant 0 : i32
      %dma_wait3A_43 = tpu.memref_slice %arg5[%add3A_39, %dma_wait3A] : memref<20480x128xf32, #tpu.memory_space<hbm>> -> memref<640x128xf32, #tpu.memory_space<hbm>>
      %dma_wait3A_44 = arith.constant 0 : i32
      %dma_wait3A_45 = tpu.memref_slice %arg6[%mul3A_34, %dma_wait3A_44] : memref<10240x128xf32, #tpu.memory_space<vmem_shared>> -> memref<640x128xf32, #tpu.memory_space<vmem_shared>>
      tpu.wait_dma2 semaphore(%run_scoped3A : memref<!tpu.dma_semaphore, #tpu.memory_space<semaphore_mem>>) src(%dma_wait3A_45 : memref<640x128xf32, #tpu.memory_space<vmem_shared>>) dst(%dma_wait3A_43 : memref<640x128xf32, #tpu.memory_space<hbm>>)
      tpu.yield
    }) : () -> ()
    return
  }
}

#map = affine_map<(d0, d1) -> (0, 0)>
#map1 = affine_map<(d0, d1) -> (0, 0, 0)>
module attributes {stable_mosaic.version = 14 : i64} {
  func.func @_sc_aggregate(%arg0: i32, %arg1: i32, %arg2: memref<10000x128xf32, #tpu.memory_space<hbm>>, %arg3: memref<32x79x128xi32, #tpu.memory_space<hbm>>, %arg4: memref<32x79x128xi32, #tpu.memory_space<hbm>>, %arg5: memref<20480x128xf32, #tpu.memory_space<hbm>>, %arg6: memref<10240x128xf32, #tpu.memory_space<vmem_shared>>, %arg7: memref<79x128xi32, #tpu.memory_space<vmem>>, %arg8: memref<79x128xi32, #tpu.memory_space<vmem>>, %arg9: memref<128x128xf32, #tpu.memory_space<vmem>>, %arg10: memref<!tpu.dma_semaphore, #tpu.memory_space<semaphore_mem>>) attributes {dimension_semantics = [#tpu.dimension_semantics<core_parallel>, #tpu.dimension_semantics<subcore_parallel>], iteration_bounds = array<i64: 2, 16>, scalar_prefetch = 0 : i64, scratch_operands = 5 : i64, tpu.core_type = #tpu.core_type<sc_vector_subcore>, window_params = [{transform_indices = #map}, {transform_indices = #map1}, {transform_indices = #map1}, {transform_indices = #map}]} {
    %mul3A = arith.constant 2 : i32
    %mul3A_0 = arith.muli %arg1, %mul3A : i32
    %add3A = arith.addi %mul3A_0, %arg0 : i32
    %scan3A = arith.constant 0 : i32
    %scan3A_1 = arith.constant 0 : i32
    %scan3A_2 = arith.constant 128 : i32
    %scan3A_3 = arith.addi %scan3A_1, %scan3A_2 : i32
    %scan3A_4 = arith.constant 1 : i32
    scf.for %scan3A_40 = %scan3A_1 to %scan3A_3 step %scan3A_4  : i32 {
      %broadcast_in_dim3A = arith.constant 0.000000e+00 : f32
      %broadcast_in_dim3A_41 = vector.broadcast %broadcast_in_dim3A : f32 to vector<16xf32>
      %swap3A = arith.index_cast %scan3A_40 : i32 to index
      %swap3A_42 = arith.constant 0 : index
      %swap3A_43 = tpu.vector_load %arg9[%swap3A, %swap3A_42] {strides = array<i32>} : memref<128x128xf32, #tpu.memory_space<vmem>>, vector<1x16xf32>,
      %swap3A_44 = vector.shape_cast %swap3A_43 : vector<1x16xf32> to vector<16xf32>
      %swap3A_45 = vector.shape_cast %broadcast_in_dim3A_41 : vector<16xf32> to vector<1x16xf32>
      tpu.vector_store %arg9[%swap3A, %swap3A_42], %swap3A_45 {strides = array<i32>} : memref<128x128xf32, #tpu.memory_space<vmem>>, vector<1x16xf32>,
      %broadcast_in_dim3A_46 = arith.constant 0.000000e+00 : f32
      %broadcast_in_dim3A_47 = vector.broadcast %broadcast_in_dim3A_46 : f32 to vector<16xf32>
      %swap3A_48 = arith.index_cast %scan3A_40 : i32 to index
      %swap3A_49 = arith.constant 16 : index
      %swap3A_50 = tpu.vector_load %arg9[%swap3A_48, %swap3A_49] {strides = array<i32>} : memref<128x128xf32, #tpu.memory_space<vmem>>, vector<1x16xf32>,
      %swap3A_51 = vector.shape_cast %swap3A_50 : vector<1x16xf32> to vector<16xf32>
      %swap3A_52 = vector.shape_cast %broadcast_in_dim3A_47 : vector<16xf32> to vector<1x16xf32>
      tpu.vector_store %arg9[%swap3A_48, %swap3A_49], %swap3A_52 {strides = array<i32>} : memref<128x128xf32, #tpu.memory_space<vmem>>, vector<1x16xf32>,
      %broadcast_in_dim3A_53 = arith.constant 0.000000e+00 : f32
      %broadcast_in_dim3A_54 = vector.broadcast %broadcast_in_dim3A_53 : f32 to vector<16xf32>
      %swap3A_55 = arith.index_cast %scan3A_40 : i32 to index
      %swap3A_56 = arith.constant 32 : index
      %swap3A_57 = tpu.vector_load %arg9[%swap3A_55, %swap3A_56] {strides = array<i32>} : memref<128x128xf32, #tpu.memory_space<vmem>>, vector<1x16xf32>,
      %swap3A_58 = vector.shape_cast %swap3A_57 : vector<1x16xf32> to vector<16xf32>
      %swap3A_59 = vector.shape_cast %broadcast_in_dim3A_54 : vector<16xf32> to vector<1x16xf32>
      tpu.vector_store %arg9[%swap3A_55, %swap3A_56], %swap3A_59 {strides = array<i32>} : memref<128x128xf32, #tpu.memory_space<vmem>>, vector<1x16xf32>,
      %broadcast_in_dim3A_60 = arith.constant 0.000000e+00 : f32
      %broadcast_in_dim3A_61 = vector.broadcast %broadcast_in_dim3A_60 : f32 to vector<16xf32>
      %swap3A_62 = arith.index_cast %scan3A_40 : i32 to index
      %swap3A_63 = arith.constant 48 : index
      %swap3A_64 = tpu.vector_load %arg9[%swap3A_62, %swap3A_63] {strides = array<i32>} : memref<128x128xf32, #tpu.memory_space<vmem>>, vector<1x16xf32>,
      %swap3A_65 = vector.shape_cast %swap3A_64 : vector<1x16xf32> to vector<16xf32>
      %swap3A_66 = vector.shape_cast %broadcast_in_dim3A_61 : vector<16xf32> to vector<1x16xf32>
      tpu.vector_store %arg9[%swap3A_62, %swap3A_63], %swap3A_66 {strides = array<i32>} : memref<128x128xf32, #tpu.memory_space<vmem>>, vector<1x16xf32>,
      %broadcast_in_dim3A_67 = arith.constant 0.000000e+00 : f32
      %broadcast_in_dim3A_68 = vector.broadcast %broadcast_in_dim3A_67 : f32 to vector<16xf32>
      %swap3A_69 = arith.index_cast %scan3A_40 : i32 to index
      %swap3A_70 = arith.constant 64 : index
      %swap3A_71 = tpu.vector_load %arg9[%swap3A_69, %swap3A_70] {strides = array<i32>} : memref<128x128xf32, #tpu.memory_space<vmem>>, vector<1x16xf32>,
      %swap3A_72 = vector.shape_cast %swap3A_71 : vector<1x16xf32> to vector<16xf32>
      %swap3A_73 = vector.shape_cast %broadcast_in_dim3A_68 : vector<16xf32> to vector<1x16xf32>
      tpu.vector_store %arg9[%swap3A_69, %swap3A_70], %swap3A_73 {strides = array<i32>} : memref<128x128xf32, #tpu.memory_space<vmem>>, vector<1x16xf32>,
      %broadcast_in_dim3A_74 = arith.constant 0.000000e+00 : f32
      %broadcast_in_dim3A_75 = vector.broadcast %broadcast_in_dim3A_74 : f32 to vector<16xf32>
      %swap3A_76 = arith.index_cast %scan3A_40 : i32 to index
      %swap3A_77 = arith.constant 80 : index
      %swap3A_78 = tpu.vector_load %arg9[%swap3A_76, %swap3A_77] {strides = array<i32>} : memref<128x128xf32, #tpu.memory_space<vmem>>, vector<1x16xf32>,
      %swap3A_79 = vector.shape_cast %swap3A_78 : vector<1x16xf32> to vector<16xf32>
      %swap3A_80 = vector.shape_cast %broadcast_in_dim3A_75 : vector<16xf32> to vector<1x16xf32>
      tpu.vector_store %arg9[%swap3A_76, %swap3A_77], %swap3A_80 {strides = array<i32>} : memref<128x128xf32, #tpu.memory_space<vmem>>, vector<1x16xf32>,
      %broadcast_in_dim3A_81 = arith.constant 0.000000e+00 : f32
      %broadcast_in_dim3A_82 = vector.broadcast %broadcast_in_dim3A_81 : f32 to vector<16xf32>
      %swap3A_83 = arith.index_cast %scan3A_40 : i32 to index
      %swap3A_84 = arith.constant 96 : index
      %swap3A_85 = tpu.vector_load %arg9[%swap3A_83, %swap3A_84] {strides = array<i32>} : memref<128x128xf32, #tpu.memory_space<vmem>>, vector<1x16xf32>,
      %swap3A_86 = vector.shape_cast %swap3A_85 : vector<1x16xf32> to vector<16xf32>
      %swap3A_87 = vector.shape_cast %broadcast_in_dim3A_82 : vector<16xf32> to vector<1x16xf32>
      tpu.vector_store %arg9[%swap3A_83, %swap3A_84], %swap3A_87 {strides = array<i32>} : memref<128x128xf32, #tpu.memory_space<vmem>>, vector<1x16xf32>,
      %broadcast_in_dim3A_88 = arith.constant 0.000000e+00 : f32
      %broadcast_in_dim3A_89 = vector.broadcast %broadcast_in_dim3A_88 : f32 to vector<16xf32>
      %swap3A_90 = arith.index_cast %scan3A_40 : i32 to index
      %swap3A_91 = arith.constant 112 : index
      %swap3A_92 = tpu.vector_load %arg9[%swap3A_90, %swap3A_91] {strides = array<i32>} : memref<128x128xf32, #tpu.memory_space<vmem>>, vector<1x16xf32>,
      %swap3A_93 = vector.shape_cast %swap3A_92 : vector<1x16xf32> to vector<16xf32>
      %swap3A_94 = vector.shape_cast %broadcast_in_dim3A_89 : vector<16xf32> to vector<1x16xf32>
      tpu.vector_store %arg9[%swap3A_90, %swap3A_91], %swap3A_94 {strides = array<i32>} : memref<128x128xf32, #tpu.memory_space<vmem>>, vector<1x16xf32>,
    }
    %scan3A_5 = arith.constant 128 : i32
    %mul3A_6 = arith.constant 640 : i32
    %mul3A_7 = arith.muli %arg1, %mul3A_6 : i32
    %add3A_8 = arith.constant 0 : i32
    %add3A_9 = arith.addi %mul3A_7, %add3A_8 : i32
    "tpu.region"() ({
      %run_scoped3A = tpu.sem_alloc : memref<!tpu.dma_semaphore, #tpu.memory_space<semaphore_mem>>
      %dma_start3A = arith.constant 0 : i32
      %dma_start3A_40 = tpu.memref_slice %arg6[%add3A_9, %dma_start3A] : memref<10240x128xf32, #tpu.memory_space<vmem_shared>> -> memref<128x128xf32, #tpu.memory_space<vmem_shared>>
      %dma_start3A_41 = arith.constant 0 : i32
      %dma_start3A_42 = tpu.memref_slice %arg6[%add3A_9, %dma_start3A_41] : memref<10240x128xf32, #tpu.memory_space<vmem_shared>> -> memref<128x128xf32, #tpu.memory_space<vmem_shared>>
      tpu.enqueue_dma source(%arg9 : memref<128x128xf32, #tpu.memory_space<vmem>>) target(%dma_start3A_42 : memref<128x128xf32, #tpu.memory_space<vmem_shared>>) target_semaphore(%run_scoped3A : memref<!tpu.dma_semaphore, #tpu.memory_space<semaphore_mem>>)
      %dma_wait3A = arith.constant 0 : i32
      %dma_wait3A_43 = tpu.memref_slice %arg6[%add3A_9, %dma_wait3A] : memref<10240x128xf32, #tpu.memory_space<vmem_shared>> -> memref<128x128xf32, #tpu.memory_space<vmem_shared>>
      %dma_wait3A_44 = arith.constant 0 : i32
      %dma_wait3A_45 = tpu.memref_slice %arg6[%add3A_9, %dma_wait3A_44] : memref<10240x128xf32, #tpu.memory_space<vmem_shared>> -> memref<128x128xf32, #tpu.memory_space<vmem_shared>>
      tpu.wait_dma2 semaphore(%run_scoped3A : memref<!tpu.dma_semaphore, #tpu.memory_space<semaphore_mem>>) src(%arg9 : memref<128x128xf32, #tpu.memory_space<vmem>>) dst(%dma_wait3A_45 : memref<128x128xf32, #tpu.memory_space<vmem_shared>>)
      tpu.yield
    }) : () -> ()
    %mul3A_10 = arith.constant 640 : i32
    %mul3A_11 = arith.muli %arg1, %mul3A_10 : i32
    %add3A_12 = arith.constant 128 : i32
    %add3A_13 = arith.addi %mul3A_11, %add3A_12 : i32
    "tpu.region"() ({
      %run_scoped3A = tpu.sem_alloc : memref<!tpu.dma_semaphore, #tpu.memory_space<semaphore_mem>>
      %dma_start3A = arith.constant 0 : i32
      %dma_start3A_40 = tpu.memref_slice %arg6[%add3A_13, %dma_start3A] : memref<10240x128xf32, #tpu.memory_space<vmem_shared>> -> memref<128x128xf32, #tpu.memory_space<vmem_shared>>
      %dma_start3A_41 = arith.constant 0 : i32
      %dma_start3A_42 = tpu.memref_slice %arg6[%add3A_13, %dma_start3A_41] : memref<10240x128xf32, #tpu.memory_space<vmem_shared>> -> memref<128x128xf32, #tpu.memory_space<vmem_shared>>
      tpu.enqueue_dma source(%arg9 : memref<128x128xf32, #tpu.memory_space<vmem>>) target(%dma_start3A_42 : memref<128x128xf32, #tpu.memory_space<vmem_shared>>) target_semaphore(%run_scoped3A : memref<!tpu.dma_semaphore, #tpu.memory_space<semaphore_mem>>)
      %dma_wait3A = arith.constant 0 : i32
      %dma_wait3A_43 = tpu.memref_slice %arg6[%add3A_13, %dma_wait3A] : memref<10240x128xf32, #tpu.memory_space<vmem_shared>> -> memref<128x128xf32, #tpu.memory_space<vmem_shared>>
      %dma_wait3A_44 = arith.constant 0 : i32
      %dma_wait3A_45 = tpu.memref_slice %arg6[%add3A_13, %dma_wait3A_44] : memref<10240x128xf32, #tpu.memory_space<vmem_shared>> -> memref<128x128xf32, #tpu.memory_space<vmem_shared>>
      tpu.wait_dma2 semaphore(%run_scoped3A : memref<!tpu.dma_semaphore, #tpu.memory_space<semaphore_mem>>) src(%arg9 : memref<128x128xf32, #tpu.memory_space<vmem>>) dst(%dma_wait3A_45 : memref<128x128xf32, #tpu.memory_space<vmem_shared>>)
      tpu.yield
    }) : () -> ()
    %mul3A_14 = arith.constant 640 : i32
    %mul3A_15 = arith.muli %arg1, %mul3A_14 : i32
    %add3A_16 = arith.constant 256 : i32
    %add3A_17 = arith.addi %mul3A_15, %add3A_16 : i32
    "tpu.region"() ({
      %run_scoped3A = tpu.sem_alloc : memref<!tpu.dma_semaphore, #tpu.memory_space<semaphore_mem>>
      %dma_start3A = arith.constant 0 : i32
      %dma_start3A_40 = tpu.memref_slice %arg6[%add3A_17, %dma_start3A] : memref<10240x128xf32, #tpu.memory_space<vmem_shared>> -> memref<128x128xf32, #tpu.memory_space<vmem_shared>>
      %dma_start3A_41 = arith.constant 0 : i32
      %dma_start3A_42 = tpu.memref_slice %arg6[%add3A_17, %dma_start3A_41] : memref<10240x128xf32, #tpu.memory_space<vmem_shared>> -> memref<128x128xf32, #tpu.memory_space<vmem_shared>>
      tpu.enqueue_dma source(%arg9 : memref<128x128xf32, #tpu.memory_space<vmem>>) target(%dma_start3A_42 : memref<128x128xf32, #tpu.memory_space<vmem_shared>>) target_semaphore(%run_scoped3A : memref<!tpu.dma_semaphore, #tpu.memory_space<semaphore_mem>>)
      %dma_wait3A = arith.constant 0 : i32
      %dma_wait3A_43 = tpu.memref_slice %arg6[%add3A_17, %dma_wait3A] : memref<10240x128xf32, #tpu.memory_space<vmem_shared>> -> memref<128x128xf32, #tpu.memory_space<vmem_shared>>
      %dma_wait3A_44 = arith.constant 0 : i32
      %dma_wait3A_45 = tpu.memref_slice %arg6[%add3A_17, %dma_wait3A_44] : memref<10240x128xf32, #tpu.memory_space<vmem_shared>> -> memref<128x128xf32, #tpu.memory_space<vmem_shared>>
      tpu.wait_dma2 semaphore(%run_scoped3A : memref<!tpu.dma_semaphore, #tpu.memory_space<semaphore_mem>>) src(%arg9 : memref<128x128xf32, #tpu.memory_space<vmem>>) dst(%dma_wait3A_45 : memref<128x128xf32, #tpu.memory_space<vmem_shared>>)
      tpu.yield
    }) : () -> ()
    %mul3A_18 = arith.constant 640 : i32
    %mul3A_19 = arith.muli %arg1, %mul3A_18 : i32
    %add3A_20 = arith.constant 384 : i32
    %add3A_21 = arith.addi %mul3A_19, %add3A_20 : i32
    "tpu.region"() ({
      %run_scoped3A = tpu.sem_alloc : memref<!tpu.dma_semaphore, #tpu.memory_space<semaphore_mem>>
      %dma_start3A = arith.constant 0 : i32
      %dma_start3A_40 = tpu.memref_slice %arg6[%add3A_21, %dma_start3A] : memref<10240x128xf32, #tpu.memory_space<vmem_shared>> -> memref<128x128xf32, #tpu.memory_space<vmem_shared>>
      %dma_start3A_41 = arith.constant 0 : i32
      %dma_start3A_42 = tpu.memref_slice %arg6[%add3A_21, %dma_start3A_41] : memref<10240x128xf32, #tpu.memory_space<vmem_shared>> -> memref<128x128xf32, #tpu.memory_space<vmem_shared>>
      tpu.enqueue_dma source(%arg9 : memref<128x128xf32, #tpu.memory_space<vmem>>) target(%dma_start3A_42 : memref<128x128xf32, #tpu.memory_space<vmem_shared>>) target_semaphore(%run_scoped3A : memref<!tpu.dma_semaphore, #tpu.memory_space<semaphore_mem>>)
      %dma_wait3A = arith.constant 0 : i32
      %dma_wait3A_43 = tpu.memref_slice %arg6[%add3A_21, %dma_wait3A] : memref<10240x128xf32, #tpu.memory_space<vmem_shared>> -> memref<128x128xf32, #tpu.memory_space<vmem_shared>>
      %dma_wait3A_44 = arith.constant 0 : i32
      %dma_wait3A_45 = tpu.memref_slice %arg6[%add3A_21, %dma_wait3A_44] : memref<10240x128xf32, #tpu.memory_space<vmem_shared>> -> memref<128x128xf32, #tpu.memory_space<vmem_shared>>
      tpu.wait_dma2 semaphore(%run_scoped3A : memref<!tpu.dma_semaphore, #tpu.memory_space<semaphore_mem>>) src(%arg9 : memref<128x128xf32, #tpu.memory_space<vmem>>) dst(%dma_wait3A_45 : memref<128x128xf32, #tpu.memory_space<vmem_shared>>)
      tpu.yield
    }) : () -> ()
    %mul3A_22 = arith.constant 640 : i32
    %mul3A_23 = arith.muli %arg1, %mul3A_22 : i32
    %add3A_24 = arith.constant 512 : i32
    %add3A_25 = arith.addi %mul3A_23, %add3A_24 : i32
    "tpu.region"() ({
      %run_scoped3A = tpu.sem_alloc : memref<!tpu.dma_semaphore, #tpu.memory_space<semaphore_mem>>
      %dma_start3A = arith.constant 0 : i32
      %dma_start3A_40 = tpu.memref_slice %arg6[%add3A_25, %dma_start3A] : memref<10240x128xf32, #tpu.memory_space<vmem_shared>> -> memref<128x128xf32, #tpu.memory_space<vmem_shared>>
      %dma_start3A_41 = arith.constant 0 : i32
      %dma_start3A_42 = tpu.memref_slice %arg6[%add3A_25, %dma_start3A_41] : memref<10240x128xf32, #tpu.memory_space<vmem_shared>> -> memref<128x128xf32, #tpu.memory_space<vmem_shared>>
      tpu.enqueue_dma source(%arg9 : memref<128x128xf32, #tpu.memory_space<vmem>>) target(%dma_start3A_42 : memref<128x128xf32, #tpu.memory_space<vmem_shared>>) target_semaphore(%run_scoped3A : memref<!tpu.dma_semaphore, #tpu.memory_space<semaphore_mem>>)
      %dma_wait3A = arith.constant 0 : i32
      %dma_wait3A_43 = tpu.memref_slice %arg6[%add3A_25, %dma_wait3A] : memref<10240x128xf32, #tpu.memory_space<vmem_shared>> -> memref<128x128xf32, #tpu.memory_space<vmem_shared>>
      %dma_wait3A_44 = arith.constant 0 : i32
      %dma_wait3A_45 = tpu.memref_slice %arg6[%add3A_25, %dma_wait3A_44] : memref<10240x128xf32, #tpu.memory_space<vmem_shared>> -> memref<128x128xf32, #tpu.memory_space<vmem_shared>>
      tpu.wait_dma2 semaphore(%run_scoped3A : memref<!tpu.dma_semaphore, #tpu.memory_space<semaphore_mem>>) src(%arg9 : memref<128x128xf32, #tpu.memory_space<vmem>>) dst(%dma_wait3A_45 : memref<128x128xf32, #tpu.memory_space<vmem_shared>>)
      tpu.yield
    }) : () -> ()
    %barrier3A = arith.constant 0 : index
    tpu.barrier barrier_id(%barrier3A)
    "tpu.region"() ({
      %run_scoped3A = tpu.sem_alloc : memref<!tpu.dma_semaphore, #tpu.memory_space<semaphore_mem>>
      %dma_start3A = arith.constant 0 : i32
      %dma_start3A_40 = arith.constant 0 : i32
      %dma_start3A_41 = tpu.memref_slice %arg3[%add3A, %dma_start3A, %dma_start3A_40] : memref<32x79x128xi32, #tpu.memory_space<hbm>> -> memref<1x79x128xi32, #tpu.memory_space<hbm>>
      %dma_start3A_42 = tpu.memref_squeeze %dma_start3A_41 : memref<1x79x128xi32, #tpu.memory_space<hbm>> -> memref<79x128xi32, #tpu.memory_space<hbm>>
      %dma_start3A_43 = arith.constant 0 : i32
      %dma_start3A_44 = arith.constant 0 : i32
      %dma_start3A_45 = tpu.memref_slice %arg3[%add3A, %dma_start3A_43, %dma_start3A_44] : memref<32x79x128xi32, #tpu.memory_space<hbm>> -> memref<1x79x128xi32, #tpu.memory_space<hbm>>
      %dma_start3A_46 = tpu.memref_squeeze %dma_start3A_45 : memref<1x79x128xi32, #tpu.memory_space<hbm>> -> memref<79x128xi32, #tpu.memory_space<hbm>>
      tpu.enqueue_dma source(%dma_start3A_46 : memref<79x128xi32, #tpu.memory_space<hbm>>) target(%arg7 : memref<79x128xi32, #tpu.memory_space<vmem>>) target_semaphore(%run_scoped3A : memref<!tpu.dma_semaphore, #tpu.memory_space<semaphore_mem>>)
      %dma_wait3A = arith.constant 0 : i32
      %dma_wait3A_47 = arith.constant 0 : i32
      %dma_wait3A_48 = tpu.memref_slice %arg3[%add3A, %dma_wait3A, %dma_wait3A_47] : memref<32x79x128xi32, #tpu.memory_space<hbm>> -> memref<1x79x128xi32, #tpu.memory_space<hbm>>
      %dma_wait3A_49 = tpu.memref_squeeze %dma_wait3A_48 : memref<1x79x128xi32, #tpu.memory_space<hbm>> -> memref<79x128xi32, #tpu.memory_space<hbm>>
      %dma_wait3A_50 = arith.constant 0 : i32
      %dma_wait3A_51 = arith.constant 0 : i32
      %dma_wait3A_52 = tpu.memref_slice %arg3[%add3A, %dma_wait3A_50, %dma_wait3A_51] : memref<32x79x128xi32, #tpu.memory_space<hbm>> -> memref<1x79x128xi32, #tpu.memory_space<hbm>>
      %dma_wait3A_53 = tpu.memref_squeeze %dma_wait3A_52 : memref<1x79x128xi32, #tpu.memory_space<hbm>> -> memref<79x128xi32, #tpu.memory_space<hbm>>
      tpu.wait_dma2 semaphore(%run_scoped3A : memref<!tpu.dma_semaphore, #tpu.memory_space<semaphore_mem>>) src(%dma_wait3A_53 : memref<79x128xi32, #tpu.memory_space<hbm>>) dst(%arg7 : memref<79x128xi32, #tpu.memory_space<vmem>>)
      tpu.yield
    }) : () -> ()
    "tpu.region"() ({
      %run_scoped3A = tpu.sem_alloc : memref<!tpu.dma_semaphore, #tpu.memory_space<semaphore_mem>>
      %dma_start3A = arith.constant 0 : i32
      %dma_start3A_40 = arith.constant 0 : i32
      %dma_start3A_41 = tpu.memref_slice %arg4[%add3A, %dma_start3A, %dma_start3A_40] : memref<32x79x128xi32, #tpu.memory_space<hbm>> -> memref<1x79x128xi32, #tpu.memory_space<hbm>>
      %dma_start3A_42 = tpu.memref_squeeze %dma_start3A_41 : memref<1x79x128xi32, #tpu.memory_space<hbm>> -> memref<79x128xi32, #tpu.memory_space<hbm>>
      %dma_start3A_43 = arith.constant 0 : i32
      %dma_start3A_44 = arith.constant 0 : i32
      %dma_start3A_45 = tpu.memref_slice %arg4[%add3A, %dma_start3A_43, %dma_start3A_44] : memref<32x79x128xi32, #tpu.memory_space<hbm>> -> memref<1x79x128xi32, #tpu.memory_space<hbm>>
      %dma_start3A_46 = tpu.memref_squeeze %dma_start3A_45 : memref<1x79x128xi32, #tpu.memory_space<hbm>> -> memref<79x128xi32, #tpu.memory_space<hbm>>
      tpu.enqueue_dma source(%dma_start3A_46 : memref<79x128xi32, #tpu.memory_space<hbm>>) target(%arg8 : memref<79x128xi32, #tpu.memory_space<vmem>>) target_semaphore(%run_scoped3A : memref<!tpu.dma_semaphore, #tpu.memory_space<semaphore_mem>>)
      %dma_wait3A = arith.constant 0 : i32
      %dma_wait3A_47 = arith.constant 0 : i32
      %dma_wait3A_48 = tpu.memref_slice %arg4[%add3A, %dma_wait3A, %dma_wait3A_47] : memref<32x79x128xi32, #tpu.memory_space<hbm>> -> memref<1x79x128xi32, #tpu.memory_space<hbm>>
      %dma_wait3A_49 = tpu.memref_squeeze %dma_wait3A_48 : memref<1x79x128xi32, #tpu.memory_space<hbm>> -> memref<79x128xi32, #tpu.memory_space<hbm>>
      %dma_wait3A_50 = arith.constant 0 : i32
      %dma_wait3A_51 = arith.constant 0 : i32
      %dma_wait3A_52 = tpu.memref_slice %arg4[%add3A, %dma_wait3A_50, %dma_wait3A_51] : memref<32x79x128xi32, #tpu.memory_space<hbm>> -> memref<1x79x128xi32, #tpu.memory_space<hbm>>
      %dma_wait3A_53 = tpu.memref_squeeze %dma_wait3A_52 : memref<1x79x128xi32, #tpu.memory_space<hbm>> -> memref<79x128xi32, #tpu.memory_space<hbm>>
      tpu.wait_dma2 semaphore(%run_scoped3A : memref<!tpu.dma_semaphore, #tpu.memory_space<semaphore_mem>>) src(%dma_wait3A_53 : memref<79x128xi32, #tpu.memory_space<hbm>>) dst(%arg8 : memref<79x128xi32, #tpu.memory_space<vmem>>)
      tpu.yield
    }) : () -> ()
    %scan3A_26 = arith.constant 0 : i32
    %scan3A_27 = arith.constant 0 : i32
    %scan3A_28 = arith.constant 79 : i32
    %scan3A_29 = arith.addi %scan3A_27, %scan3A_28 : i32
    %scan3A_30 = arith.constant 1 : i32
    scf.for %scan3A_40 = %scan3A_27 to %scan3A_29 step %scan3A_30  : i32 {
      %dma_start3A = arith.constant 0 : i32
      %dma_start3A_41 = tpu.memref_slice %arg7[%scan3A_40, %dma_start3A] : memref<79x128xi32, #tpu.memory_space<vmem>> -> memref<1x128xi32, #tpu.memory_space<vmem>>
      %dma_start3A_42 = tpu.memref_squeeze %dma_start3A_41 : memref<1x128xi32, #tpu.memory_space<vmem>> -> memref<128xi32, #tpu.memory_space<vmem>>
      %dma_start3A_43 = arith.constant 0 : i32
      %dma_start3A_44 = arith.constant 0 : i32
      %dma_start3A_45 = tpu.memref_slice %arg2[%dma_start3A_43, %dma_start3A_44] : memref<10000x128xf32, #tpu.memory_space<hbm>> -> memref<10000x128xf32, #tpu.memory_space<hbm>>
      tpu.enqueue_indirect_dma source(%dma_start3A_45 : memref<10000x128xf32, #tpu.memory_space<hbm>>) target(%arg9 : memref<128x128xf32, #tpu.memory_space<vmem>>) offsets(%dma_start3A_42 : memref<128xi32, #tpu.memory_space<vmem>>) semaphore(%arg10 : memref<!tpu.dma_semaphore, #tpu.memory_space<semaphore_mem>>)
      %dma_wait3A = arith.constant 0 : i32
      %dma_wait3A_46 = tpu.memref_slice %arg7[%scan3A_40, %dma_wait3A] : memref<79x128xi32, #tpu.memory_space<vmem>> -> memref<1x128xi32, #tpu.memory_space<vmem>>
      %dma_wait3A_47 = tpu.memref_squeeze %dma_wait3A_46 : memref<1x128xi32, #tpu.memory_space<vmem>> -> memref<128xi32, #tpu.memory_space<vmem>>
      %dma_wait3A_48 = arith.constant 0 : i32
      %dma_wait3A_49 = arith.constant 0 : i32
      %dma_wait3A_50 = tpu.memref_slice %arg2[%dma_wait3A_48, %dma_wait3A_49] : memref<10000x128xf32, #tpu.memory_space<hbm>> -> memref<10000x128xf32, #tpu.memory_space<hbm>>
      tpu.wait_indirect_dma semaphore(%arg10 : memref<!tpu.dma_semaphore, #tpu.memory_space<semaphore_mem>>) src(%dma_wait3A_50 : memref<10000x128xf32, #tpu.memory_space<hbm>>) dst(%arg9 : memref<128x128xf32, #tpu.memory_space<vmem>>)
      "tpu.region"() ({
        %run_scoped3A = tpu.sem_alloc : memref<!tpu.dma_semaphore, #tpu.memory_space<semaphore_mem>>
        %dma_start3A_51 = arith.constant 0 : i32
        %dma_start3A_52 = tpu.memref_slice %arg8[%scan3A_40, %dma_start3A_51] : memref<79x128xi32, #tpu.memory_space<vmem>> -> memref<1x128xi32, #tpu.memory_space<vmem>>
        %dma_start3A_53 = tpu.memref_squeeze %dma_start3A_52 : memref<1x128xi32, #tpu.memory_space<vmem>> -> memref<128xi32, #tpu.memory_space<vmem>>
        %dma_start3A_54 = arith.constant 0 : i32
        %dma_start3A_55 = arith.constant 0 : i32
        %dma_start3A_56 = tpu.memref_slice %arg6[%dma_start3A_54, %dma_start3A_55] : memref<10240x128xf32, #tpu.memory_space<vmem_shared>> -> memref<10240x128xf32, #tpu.memory_space<vmem_shared>>
        tpu.enqueue_indirect_dma source(%arg9 : memref<128x128xf32, #tpu.memory_space<vmem>>) target(%dma_start3A_56 : memref<10240x128xf32, #tpu.memory_space<vmem_shared>>) offsets(%dma_start3A_53 : memref<128xi32, #tpu.memory_space<vmem>>) semaphore(%run_scoped3A : memref<!tpu.dma_semaphore, #tpu.memory_space<semaphore_mem>>) {add = true}
        %dma_wait3A_57 = arith.constant 0 : i32
        %dma_wait3A_58 = tpu.memref_slice %arg8[%scan3A_40, %dma_wait3A_57] : memref<79x128xi32, #tpu.memory_space<vmem>> -> memref<1x128xi32, #tpu.memory_space<vmem>>
        %dma_wait3A_59 = tpu.memref_squeeze %dma_wait3A_58 : memref<1x128xi32, #tpu.memory_space<vmem>> -> memref<128xi32, #tpu.memory_space<vmem>>
        %dma_wait3A_60 = arith.constant 0 : i32
        %dma_wait3A_61 = arith.constant 0 : i32
        %dma_wait3A_62 = tpu.memref_slice %arg6[%dma_wait3A_60, %dma_wait3A_61] : memref<10240x128xf32, #tpu.memory_space<vmem_shared>> -> memref<10240x128xf32, #tpu.memory_space<vmem_shared>>
        tpu.wait_indirect_dma semaphore(%run_scoped3A : memref<!tpu.dma_semaphore, #tpu.memory_space<semaphore_mem>>) src(%arg9 : memref<128x128xf32, #tpu.memory_space<vmem>>) dst(%dma_wait3A_62 : memref<10240x128xf32, #tpu.memory_space<vmem_shared>>)
        tpu.yield
      }) : () -> ()
    }
    %scan3A_31 = arith.constant 79 : i32
    %barrier3A_32 = arith.constant 0 : index
    tpu.barrier barrier_id(%barrier3A_32)
    %mul3A_33 = arith.constant 640 : i32
    %mul3A_34 = arith.muli %arg1, %mul3A_33 : i32
    %mul3A_35 = arith.constant 10240 : i32
    %mul3A_36 = arith.muli %arg0, %mul3A_35 : i32
    %mul3A_37 = arith.constant 640 : i32
    %mul3A_38 = arith.muli %arg1, %mul3A_37 : i32
    %add3A_39 = arith.addi %mul3A_36, %mul3A_38 : i32
    "tpu.region"() ({
      %run_scoped3A = tpu.sem_alloc : memref<!tpu.dma_semaphore, #tpu.memory_space<semaphore_mem>>
      %dma_start3A = arith.constant 0 : i32
      %dma_start3A_40 = tpu.memref_slice %arg5[%add3A_39, %dma_start3A] : memref<20480x128xf32, #tpu.memory_space<hbm>> -> memref<640x128xf32, #tpu.memory_space<hbm>>
      %dma_start3A_41 = arith.constant 0 : i32
      %dma_start3A_42 = tpu.memref_slice %arg6[%mul3A_34, %dma_start3A_41] : memref<10240x128xf32, #tpu.memory_space<vmem_shared>> -> memref<640x128xf32, #tpu.memory_space<vmem_shared>>
      tpu.enqueue_dma source(%dma_start3A_42 : memref<640x128xf32, #tpu.memory_space<vmem_shared>>) target(%dma_start3A_40 : memref<640x128xf32, #tpu.memory_space<hbm>>) target_semaphore(%run_scoped3A : memref<!tpu.dma_semaphore, #tpu.memory_space<semaphore_mem>>)
      %dma_wait3A = arith.constant 0 : i32
      %dma_wait3A_43 = tpu.memref_slice %arg5[%add3A_39, %dma_wait3A] : memref<20480x128xf32, #tpu.memory_space<hbm>> -> memref<640x128xf32, #tpu.memory_space<hbm>>
      %dma_wait3A_44 = arith.constant 0 : i32
      %dma_wait3A_45 = tpu.memref_slice %arg6[%mul3A_34, %dma_wait3A_44] : memref<10240x128xf32, #tpu.memory_space<vmem_shared>> -> memref<640x128xf32, #tpu.memory_space<vmem_shared>>
      tpu.wait_dma2 semaphore(%run_scoped3A : memref<!tpu.dma_semaphore, #tpu.memory_space<semaphore_mem>>) src(%dma_wait3A_45 : memref<640x128xf32, #tpu.memory_space<vmem_shared>>) dst(%dma_wait3A_43 : memref<640x128xf32, #tpu.memory_space<hbm>>)
      tpu.yield
    }) : () -> ()
    return
  }
}

#map = affine_map<(d0, d1) -> (0, 0)>
#map1 = affine_map<(d0, d1) -> (0, 0, 0)>
module attributes {stable_mosaic.version = 14 : i64} {
  func.func @_sc_aggregate(%arg0: i32, %arg1: i32, %arg2: memref<10000x128xf32, #tpu.memory_space<hbm>>, %arg3: memref<32x79x128xi32, #tpu.memory_space<hbm>>, %arg4: memref<32x79x128xi32, #tpu.memory_space<hbm>>, %arg5: memref<20480x128xf32, #tpu.memory_space<hbm>>, %arg6: memref<10240x128xf32, #tpu.memory_space<vmem_shared>>, %arg7: memref<79x128xi32, #tpu.memory_space<vmem>>, %arg8: memref<79x128xi32, #tpu.memory_space<vmem>>, %arg9: memref<128x128xf32, #tpu.memory_space<vmem>>, %arg10: memref<!tpu.dma_semaphore, #tpu.memory_space<semaphore_mem>>) attributes {dimension_semantics = [#tpu.dimension_semantics<core_parallel>, #tpu.dimension_semantics<subcore_parallel>], iteration_bounds = array<i64: 2, 16>, scalar_prefetch = 0 : i64, scratch_operands = 5 : i64, tpu.core_type = #tpu.core_type<sc_vector_subcore>, window_params = [{transform_indices = #map}, {transform_indices = #map1}, {transform_indices = #map1}, {transform_indices = #map}]} {
    %mul3A = arith.constant 2 : i32
    %mul3A_0 = arith.muli %arg1, %mul3A : i32
    %add3A = arith.addi %mul3A_0, %arg0 : i32
    %scan3A = arith.constant 0 : i32
    %scan3A_1 = arith.constant 0 : i32
    %scan3A_2 = arith.constant 128 : i32
    %scan3A_3 = arith.addi %scan3A_1, %scan3A_2 : i32
    %scan3A_4 = arith.constant 1 : i32
    scf.for %scan3A_40 = %scan3A_1 to %scan3A_3 step %scan3A_4  : i32 {
      %broadcast_in_dim3A = arith.constant 0.000000e+00 : f32
      %broadcast_in_dim3A_41 = vector.broadcast %broadcast_in_dim3A : f32 to vector<16xf32>
      %swap3A = arith.index_cast %scan3A_40 : i32 to index
      %swap3A_42 = arith.constant 0 : index
      %swap3A_43 = tpu.vector_load %arg9[%swap3A, %swap3A_42] {strides = array<i32>} : memref<128x128xf32, #tpu.memory_space<vmem>>, vector<1x16xf32>,
      %swap3A_44 = vector.shape_cast %swap3A_43 : vector<1x16xf32> to vector<16xf32>
      %swap3A_45 = vector.shape_cast %broadcast_in_dim3A_41 : vector<16xf32> to vector<1x16xf32>
      tpu.vector_store %arg9[%swap3A, %swap3A_42], %swap3A_45 {strides = array<i32>} : memref<128x128xf32, #tpu.memory_space<vmem>>, vector<1x16xf32>,
      %broadcast_in_dim3A_46 = arith.constant 0.000000e+00 : f32
      %broadcast_in_dim3A_47 = vector.broadcast %broadcast_in_dim3A_46 : f32 to vector<16xf32>
      %swap3A_48 = arith.index_cast %scan3A_40 : i32 to index
      %swap3A_49 = arith.constant 16 : index
      %swap3A_50 = tpu.vector_load %arg9[%swap3A_48, %swap3A_49] {strides = array<i32>} : memref<128x128xf32, #tpu.memory_space<vmem>>, vector<1x16xf32>,
      %swap3A_51 = vector.shape_cast %swap3A_50 : vector<1x16xf32> to vector<16xf32>
      %swap3A_52 = vector.shape_cast %broadcast_in_dim3A_47 : vector<16xf32> to vector<1x16xf32>
      tpu.vector_store %arg9[%swap3A_48, %swap3A_49], %swap3A_52 {strides = array<i32>} : memref<128x128xf32, #tpu.memory_space<vmem>>, vector<1x16xf32>,
      %broadcast_in_dim3A_53 = arith.constant 0.000000e+00 : f32
      %broadcast_in_dim3A_54 = vector.broadcast %broadcast_in_dim3A_53 : f32 to vector<16xf32>
      %swap3A_55 = arith.index_cast %scan3A_40 : i32 to index
      %swap3A_56 = arith.constant 32 : index
      %swap3A_57 = tpu.vector_load %arg9[%swap3A_55, %swap3A_56] {strides = array<i32>} : memref<128x128xf32, #tpu.memory_space<vmem>>, vector<1x16xf32>,
      %swap3A_58 = vector.shape_cast %swap3A_57 : vector<1x16xf32> to vector<16xf32>
      %swap3A_59 = vector.shape_cast %broadcast_in_dim3A_54 : vector<16xf32> to vector<1x16xf32>
      tpu.vector_store %arg9[%swap3A_55, %swap3A_56], %swap3A_59 {strides = array<i32>} : memref<128x128xf32, #tpu.memory_space<vmem>>, vector<1x16xf32>,
      %broadcast_in_dim3A_60 = arith.constant 0.000000e+00 : f32
      %broadcast_in_dim3A_61 = vector.broadcast %broadcast_in_dim3A_60 : f32 to vector<16xf32>
      %swap3A_62 = arith.index_cast %scan3A_40 : i32 to index
      %swap3A_63 = arith.constant 48 : index
      %swap3A_64 = tpu.vector_load %arg9[%swap3A_62, %swap3A_63] {strides = array<i32>} : memref<128x128xf32, #tpu.memory_space<vmem>>, vector<1x16xf32>,
      %swap3A_65 = vector.shape_cast %swap3A_64 : vector<1x16xf32> to vector<16xf32>
      %swap3A_66 = vector.shape_cast %broadcast_in_dim3A_61 : vector<16xf32> to vector<1x16xf32>
      tpu.vector_store %arg9[%swap3A_62, %swap3A_63], %swap3A_66 {strides = array<i32>} : memref<128x128xf32, #tpu.memory_space<vmem>>, vector<1x16xf32>,
      %broadcast_in_dim3A_67 = arith.constant 0.000000e+00 : f32
      %broadcast_in_dim3A_68 = vector.broadcast %broadcast_in_dim3A_67 : f32 to vector<16xf32>
      %swap3A_69 = arith.index_cast %scan3A_40 : i32 to index
      %swap3A_70 = arith.constant 64 : index
      %swap3A_71 = tpu.vector_load %arg9[%swap3A_69, %swap3A_70] {strides = array<i32>} : memref<128x128xf32, #tpu.memory_space<vmem>>, vector<1x16xf32>,
      %swap3A_72 = vector.shape_cast %swap3A_71 : vector<1x16xf32> to vector<16xf32>
      %swap3A_73 = vector.shape_cast %broadcast_in_dim3A_68 : vector<16xf32> to vector<1x16xf32>
      tpu.vector_store %arg9[%swap3A_69, %swap3A_70], %swap3A_73 {strides = array<i32>} : memref<128x128xf32, #tpu.memory_space<vmem>>, vector<1x16xf32>,
      %broadcast_in_dim3A_74 = arith.constant 0.000000e+00 : f32
      %broadcast_in_dim3A_75 = vector.broadcast %broadcast_in_dim3A_74 : f32 to vector<16xf32>
      %swap3A_76 = arith.index_cast %scan3A_40 : i32 to index
      %swap3A_77 = arith.constant 80 : index
      %swap3A_78 = tpu.vector_load %arg9[%swap3A_76, %swap3A_77] {strides = array<i32>} : memref<128x128xf32, #tpu.memory_space<vmem>>, vector<1x16xf32>,
      %swap3A_79 = vector.shape_cast %swap3A_78 : vector<1x16xf32> to vector<16xf32>
      %swap3A_80 = vector.shape_cast %broadcast_in_dim3A_75 : vector<16xf32> to vector<1x16xf32>
      tpu.vector_store %arg9[%swap3A_76, %swap3A_77], %swap3A_80 {strides = array<i32>} : memref<128x128xf32, #tpu.memory_space<vmem>>, vector<1x16xf32>,
      %broadcast_in_dim3A_81 = arith.constant 0.000000e+00 : f32
      %broadcast_in_dim3A_82 = vector.broadcast %broadcast_in_dim3A_81 : f32 to vector<16xf32>
      %swap3A_83 = arith.index_cast %scan3A_40 : i32 to index
      %swap3A_84 = arith.constant 96 : index
      %swap3A_85 = tpu.vector_load %arg9[%swap3A_83, %swap3A_84] {strides = array<i32>} : memref<128x128xf32, #tpu.memory_space<vmem>>, vector<1x16xf32>,
      %swap3A_86 = vector.shape_cast %swap3A_85 : vector<1x16xf32> to vector<16xf32>
      %swap3A_87 = vector.shape_cast %broadcast_in_dim3A_82 : vector<16xf32> to vector<1x16xf32>
      tpu.vector_store %arg9[%swap3A_83, %swap3A_84], %swap3A_87 {strides = array<i32>} : memref<128x128xf32, #tpu.memory_space<vmem>>, vector<1x16xf32>,
      %broadcast_in_dim3A_88 = arith.constant 0.000000e+00 : f32
      %broadcast_in_dim3A_89 = vector.broadcast %broadcast_in_dim3A_88 : f32 to vector<16xf32>
      %swap3A_90 = arith.index_cast %scan3A_40 : i32 to index
      %swap3A_91 = arith.constant 112 : index
      %swap3A_92 = tpu.vector_load %arg9[%swap3A_90, %swap3A_91] {strides = array<i32>} : memref<128x128xf32, #tpu.memory_space<vmem>>, vector<1x16xf32>,
      %swap3A_93 = vector.shape_cast %swap3A_92 : vector<1x16xf32> to vector<16xf32>
      %swap3A_94 = vector.shape_cast %broadcast_in_dim3A_89 : vector<16xf32> to vector<1x16xf32>
      tpu.vector_store %arg9[%swap3A_90, %swap3A_91], %swap3A_94 {strides = array<i32>} : memref<128x128xf32, #tpu.memory_space<vmem>>, vector<1x16xf32>,
    }
    %scan3A_5 = arith.constant 128 : i32
    %mul3A_6 = arith.constant 640 : i32
    %mul3A_7 = arith.muli %arg1, %mul3A_6 : i32
    %add3A_8 = arith.constant 0 : i32
    %add3A_9 = arith.addi %mul3A_7, %add3A_8 : i32
    "tpu.region"() ({
      %run_scoped3A = tpu.sem_alloc : memref<!tpu.dma_semaphore, #tpu.memory_space<semaphore_mem>>
      %dma_start3A = arith.constant 0 : i32
      %dma_start3A_40 = tpu.memref_slice %arg6[%add3A_9, %dma_start3A] : memref<10240x128xf32, #tpu.memory_space<vmem_shared>> -> memref<128x128xf32, #tpu.memory_space<vmem_shared>>
      %dma_start3A_41 = arith.constant 0 : i32
      %dma_start3A_42 = tpu.memref_slice %arg6[%add3A_9, %dma_start3A_41] : memref<10240x128xf32, #tpu.memory_space<vmem_shared>> -> memref<128x128xf32, #tpu.memory_space<vmem_shared>>
      tpu.enqueue_dma source(%arg9 : memref<128x128xf32, #tpu.memory_space<vmem>>) target(%dma_start3A_42 : memref<128x128xf32, #tpu.memory_space<vmem_shared>>) target_semaphore(%run_scoped3A : memref<!tpu.dma_semaphore, #tpu.memory_space<semaphore_mem>>)
      %dma_wait3A = arith.constant 0 : i32
      %dma_wait3A_43 = tpu.memref_slice %arg6[%add3A_9, %dma_wait3A] : memref<10240x128xf32, #tpu.memory_space<vmem_shared>> -> memref<128x128xf32, #tpu.memory_space<vmem_shared>>
      %dma_wait3A_44 = arith.constant 0 : i32
      %dma_wait3A_45 = tpu.memref_slice %arg6[%add3A_9, %dma_wait3A_44] : memref<10240x128xf32, #tpu.memory_space<vmem_shared>> -> memref<128x128xf32, #tpu.memory_space<vmem_shared>>
      tpu.wait_dma2 semaphore(%run_scoped3A : memref<!tpu.dma_semaphore, #tpu.memory_space<semaphore_mem>>) src(%arg9 : memref<128x128xf32, #tpu.memory_space<vmem>>) dst(%dma_wait3A_45 : memref<128x128xf32, #tpu.memory_space<vmem_shared>>)
      tpu.yield
    }) : () -> ()
    %mul3A_10 = arith.constant 640 : i32
    %mul3A_11 = arith.muli %arg1, %mul3A_10 : i32
    %add3A_12 = arith.constant 128 : i32
    %add3A_13 = arith.addi %mul3A_11, %add3A_12 : i32
    "tpu.region"() ({
      %run_scoped3A = tpu.sem_alloc : memref<!tpu.dma_semaphore, #tpu.memory_space<semaphore_mem>>
      %dma_start3A = arith.constant 0 : i32
      %dma_start3A_40 = tpu.memref_slice %arg6[%add3A_13, %dma_start3A] : memref<10240x128xf32, #tpu.memory_space<vmem_shared>> -> memref<128x128xf32, #tpu.memory_space<vmem_shared>>
      %dma_start3A_41 = arith.constant 0 : i32
      %dma_start3A_42 = tpu.memref_slice %arg6[%add3A_13, %dma_start3A_41] : memref<10240x128xf32, #tpu.memory_space<vmem_shared>> -> memref<128x128xf32, #tpu.memory_space<vmem_shared>>
      tpu.enqueue_dma source(%arg9 : memref<128x128xf32, #tpu.memory_space<vmem>>) target(%dma_start3A_42 : memref<128x128xf32, #tpu.memory_space<vmem_shared>>) target_semaphore(%run_scoped3A : memref<!tpu.dma_semaphore, #tpu.memory_space<semaphore_mem>>)
      %dma_wait3A = arith.constant 0 : i32
      %dma_wait3A_43 = tpu.memref_slice %arg6[%add3A_13, %dma_wait3A] : memref<10240x128xf32, #tpu.memory_space<vmem_shared>> -> memref<128x128xf32, #tpu.memory_space<vmem_shared>>
      %dma_wait3A_44 = arith.constant 0 : i32
      %dma_wait3A_45 = tpu.memref_slice %arg6[%add3A_13, %dma_wait3A_44] : memref<10240x128xf32, #tpu.memory_space<vmem_shared>> -> memref<128x128xf32, #tpu.memory_space<vmem_shared>>
      tpu.wait_dma2 semaphore(%run_scoped3A : memref<!tpu.dma_semaphore, #tpu.memory_space<semaphore_mem>>) src(%arg9 : memref<128x128xf32, #tpu.memory_space<vmem>>) dst(%dma_wait3A_45 : memref<128x128xf32, #tpu.memory_space<vmem_shared>>)
      tpu.yield
    }) : () -> ()
    %mul3A_14 = arith.constant 640 : i32
    %mul3A_15 = arith.muli %arg1, %mul3A_14 : i32
    %add3A_16 = arith.constant 256 : i32
    %add3A_17 = arith.addi %mul3A_15, %add3A_16 : i32
    "tpu.region"() ({
      %run_scoped3A = tpu.sem_alloc : memref<!tpu.dma_semaphore, #tpu.memory_space<semaphore_mem>>
      %dma_start3A = arith.constant 0 : i32
      %dma_start3A_40 = tpu.memref_slice %arg6[%add3A_17, %dma_start3A] : memref<10240x128xf32, #tpu.memory_space<vmem_shared>> -> memref<128x128xf32, #tpu.memory_space<vmem_shared>>
      %dma_start3A_41 = arith.constant 0 : i32
      %dma_start3A_42 = tpu.memref_slice %arg6[%add3A_17, %dma_start3A_41] : memref<10240x128xf32, #tpu.memory_space<vmem_shared>> -> memref<128x128xf32, #tpu.memory_space<vmem_shared>>
      tpu.enqueue_dma source(%arg9 : memref<128x128xf32, #tpu.memory_space<vmem>>) target(%dma_start3A_42 : memref<128x128xf32, #tpu.memory_space<vmem_shared>>) target_semaphore(%run_scoped3A : memref<!tpu.dma_semaphore, #tpu.memory_space<semaphore_mem>>)
      %dma_wait3A = arith.constant 0 : i32
      %dma_wait3A_43 = tpu.memref_slice %arg6[%add3A_17, %dma_wait3A] : memref<10240x128xf32, #tpu.memory_space<vmem_shared>> -> memref<128x128xf32, #tpu.memory_space<vmem_shared>>
      %dma_wait3A_44 = arith.constant 0 : i32
      %dma_wait3A_45 = tpu.memref_slice %arg6[%add3A_17, %dma_wait3A_44] : memref<10240x128xf32, #tpu.memory_space<vmem_shared>> -> memref<128x128xf32, #tpu.memory_space<vmem_shared>>
      tpu.wait_dma2 semaphore(%run_scoped3A : memref<!tpu.dma_semaphore, #tpu.memory_space<semaphore_mem>>) src(%arg9 : memref<128x128xf32, #tpu.memory_space<vmem>>) dst(%dma_wait3A_45 : memref<128x128xf32, #tpu.memory_space<vmem_shared>>)
      tpu.yield
    }) : () -> ()
    %mul3A_18 = arith.constant 640 : i32
    %mul3A_19 = arith.muli %arg1, %mul3A_18 : i32
    %add3A_20 = arith.constant 384 : i32
    %add3A_21 = arith.addi %mul3A_19, %add3A_20 : i32
    "tpu.region"() ({
      %run_scoped3A = tpu.sem_alloc : memref<!tpu.dma_semaphore, #tpu.memory_space<semaphore_mem>>
      %dma_start3A = arith.constant 0 : i32
      %dma_start3A_40 = tpu.memref_slice %arg6[%add3A_21, %dma_start3A] : memref<10240x128xf32, #tpu.memory_space<vmem_shared>> -> memref<128x128xf32, #tpu.memory_space<vmem_shared>>
      %dma_start3A_41 = arith.constant 0 : i32
      %dma_start3A_42 = tpu.memref_slice %arg6[%add3A_21, %dma_start3A_41] : memref<10240x128xf32, #tpu.memory_space<vmem_shared>> -> memref<128x128xf32, #tpu.memory_space<vmem_shared>>
      tpu.enqueue_dma source(%arg9 : memref<128x128xf32, #tpu.memory_space<vmem>>) target(%dma_start3A_42 : memref<128x128xf32, #tpu.memory_space<vmem_shared>>) target_semaphore(%run_scoped3A : memref<!tpu.dma_semaphore, #tpu.memory_space<semaphore_mem>>)
      %dma_wait3A = arith.constant 0 : i32
      %dma_wait3A_43 = tpu.memref_slice %arg6[%add3A_21, %dma_wait3A] : memref<10240x128xf32, #tpu.memory_space<vmem_shared>> -> memref<128x128xf32, #tpu.memory_space<vmem_shared>>
      %dma_wait3A_44 = arith.constant 0 : i32
      %dma_wait3A_45 = tpu.memref_slice %arg6[%add3A_21, %dma_wait3A_44] : memref<10240x128xf32, #tpu.memory_space<vmem_shared>> -> memref<128x128xf32, #tpu.memory_space<vmem_shared>>
      tpu.wait_dma2 semaphore(%run_scoped3A : memref<!tpu.dma_semaphore, #tpu.memory_space<semaphore_mem>>) src(%arg9 : memref<128x128xf32, #tpu.memory_space<vmem>>) dst(%dma_wait3A_45 : memref<128x128xf32, #tpu.memory_space<vmem_shared>>)
      tpu.yield
    }) : () -> ()
    %mul3A_22 = arith.constant 640 : i32
    %mul3A_23 = arith.muli %arg1, %mul3A_22 : i32
    %add3A_24 = arith.constant 512 : i32
    %add3A_25 = arith.addi %mul3A_23, %add3A_24 : i32
    "tpu.region"() ({
      %run_scoped3A = tpu.sem_alloc : memref<!tpu.dma_semaphore, #tpu.memory_space<semaphore_mem>>
      %dma_start3A = arith.constant 0 : i32
      %dma_start3A_40 = tpu.memref_slice %arg6[%add3A_25, %dma_start3A] : memref<10240x128xf32, #tpu.memory_space<vmem_shared>> -> memref<128x128xf32, #tpu.memory_space<vmem_shared>>
      %dma_start3A_41 = arith.constant 0 : i32
      %dma_start3A_42 = tpu.memref_slice %arg6[%add3A_25, %dma_start3A_41] : memref<10240x128xf32, #tpu.memory_space<vmem_shared>> -> memref<128x128xf32, #tpu.memory_space<vmem_shared>>
      tpu.enqueue_dma source(%arg9 : memref<128x128xf32, #tpu.memory_space<vmem>>) target(%dma_start3A_42 : memref<128x128xf32, #tpu.memory_space<vmem_shared>>) target_semaphore(%run_scoped3A : memref<!tpu.dma_semaphore, #tpu.memory_space<semaphore_mem>>)
      %dma_wait3A = arith.constant 0 : i32
      %dma_wait3A_43 = tpu.memref_slice %arg6[%add3A_25, %dma_wait3A] : memref<10240x128xf32, #tpu.memory_space<vmem_shared>> -> memref<128x128xf32, #tpu.memory_space<vmem_shared>>
      %dma_wait3A_44 = arith.constant 0 : i32
      %dma_wait3A_45 = tpu.memref_slice %arg6[%add3A_25, %dma_wait3A_44] : memref<10240x128xf32, #tpu.memory_space<vmem_shared>> -> memref<128x128xf32, #tpu.memory_space<vmem_shared>>
      tpu.wait_dma2 semaphore(%run_scoped3A : memref<!tpu.dma_semaphore, #tpu.memory_space<semaphore_mem>>) src(%arg9 : memref<128x128xf32, #tpu.memory_space<vmem>>) dst(%dma_wait3A_45 : memref<128x128xf32, #tpu.memory_space<vmem_shared>>)
      tpu.yield
    }) : () -> ()
    %barrier3A = arith.constant 0 : index
    tpu.barrier barrier_id(%barrier3A)
    "tpu.region"() ({
      %run_scoped3A = tpu.sem_alloc : memref<!tpu.dma_semaphore, #tpu.memory_space<semaphore_mem>>
      %dma_start3A = arith.constant 0 : i32
      %dma_start3A_40 = arith.constant 0 : i32
      %dma_start3A_41 = tpu.memref_slice %arg3[%add3A, %dma_start3A, %dma_start3A_40] : memref<32x79x128xi32, #tpu.memory_space<hbm>> -> memref<1x79x128xi32, #tpu.memory_space<hbm>>
      %dma_start3A_42 = tpu.memref_squeeze %dma_start3A_41 : memref<1x79x128xi32, #tpu.memory_space<hbm>> -> memref<79x128xi32, #tpu.memory_space<hbm>>
      %dma_start3A_43 = arith.constant 0 : i32
      %dma_start3A_44 = arith.constant 0 : i32
      %dma_start3A_45 = tpu.memref_slice %arg3[%add3A, %dma_start3A_43, %dma_start3A_44] : memref<32x79x128xi32, #tpu.memory_space<hbm>> -> memref<1x79x128xi32, #tpu.memory_space<hbm>>
      %dma_start3A_46 = tpu.memref_squeeze %dma_start3A_45 : memref<1x79x128xi32, #tpu.memory_space<hbm>> -> memref<79x128xi32, #tpu.memory_space<hbm>>
      tpu.enqueue_dma source(%dma_start3A_46 : memref<79x128xi32, #tpu.memory_space<hbm>>) target(%arg7 : memref<79x128xi32, #tpu.memory_space<vmem>>) target_semaphore(%run_scoped3A : memref<!tpu.dma_semaphore, #tpu.memory_space<semaphore_mem>>)
      %dma_wait3A = arith.constant 0 : i32
      %dma_wait3A_47 = arith.constant 0 : i32
      %dma_wait3A_48 = tpu.memref_slice %arg3[%add3A, %dma_wait3A, %dma_wait3A_47] : memref<32x79x128xi32, #tpu.memory_space<hbm>> -> memref<1x79x128xi32, #tpu.memory_space<hbm>>
      %dma_wait3A_49 = tpu.memref_squeeze %dma_wait3A_48 : memref<1x79x128xi32, #tpu.memory_space<hbm>> -> memref<79x128xi32, #tpu.memory_space<hbm>>
      %dma_wait3A_50 = arith.constant 0 : i32
      %dma_wait3A_51 = arith.constant 0 : i32
      %dma_wait3A_52 = tpu.memref_slice %arg3[%add3A, %dma_wait3A_50, %dma_wait3A_51] : memref<32x79x128xi32, #tpu.memory_space<hbm>> -> memref<1x79x128xi32, #tpu.memory_space<hbm>>
      %dma_wait3A_53 = tpu.memref_squeeze %dma_wait3A_52 : memref<1x79x128xi32, #tpu.memory_space<hbm>> -> memref<79x128xi32, #tpu.memory_space<hbm>>
      tpu.wait_dma2 semaphore(%run_scoped3A : memref<!tpu.dma_semaphore, #tpu.memory_space<semaphore_mem>>) src(%dma_wait3A_53 : memref<79x128xi32, #tpu.memory_space<hbm>>) dst(%arg7 : memref<79x128xi32, #tpu.memory_space<vmem>>)
      tpu.yield
    }) : () -> ()
    "tpu.region"() ({
      %run_scoped3A = tpu.sem_alloc : memref<!tpu.dma_semaphore, #tpu.memory_space<semaphore_mem>>
      %dma_start3A = arith.constant 0 : i32
      %dma_start3A_40 = arith.constant 0 : i32
      %dma_start3A_41 = tpu.memref_slice %arg4[%add3A, %dma_start3A, %dma_start3A_40] : memref<32x79x128xi32, #tpu.memory_space<hbm>> -> memref<1x79x128xi32, #tpu.memory_space<hbm>>
      %dma_start3A_42 = tpu.memref_squeeze %dma_start3A_41 : memref<1x79x128xi32, #tpu.memory_space<hbm>> -> memref<79x128xi32, #tpu.memory_space<hbm>>
      %dma_start3A_43 = arith.constant 0 : i32
      %dma_start3A_44 = arith.constant 0 : i32
      %dma_start3A_45 = tpu.memref_slice %arg4[%add3A, %dma_start3A_43, %dma_start3A_44] : memref<32x79x128xi32, #tpu.memory_space<hbm>> -> memref<1x79x128xi32, #tpu.memory_space<hbm>>
      %dma_start3A_46 = tpu.memref_squeeze %dma_start3A_45 : memref<1x79x128xi32, #tpu.memory_space<hbm>> -> memref<79x128xi32, #tpu.memory_space<hbm>>
      tpu.enqueue_dma source(%dma_start3A_46 : memref<79x128xi32, #tpu.memory_space<hbm>>) target(%arg8 : memref<79x128xi32, #tpu.memory_space<vmem>>) target_semaphore(%run_scoped3A : memref<!tpu.dma_semaphore, #tpu.memory_space<semaphore_mem>>)
      %dma_wait3A = arith.constant 0 : i32
      %dma_wait3A_47 = arith.constant 0 : i32
      %dma_wait3A_48 = tpu.memref_slice %arg4[%add3A, %dma_wait3A, %dma_wait3A_47] : memref<32x79x128xi32, #tpu.memory_space<hbm>> -> memref<1x79x128xi32, #tpu.memory_space<hbm>>
      %dma_wait3A_49 = tpu.memref_squeeze %dma_wait3A_48 : memref<1x79x128xi32, #tpu.memory_space<hbm>> -> memref<79x128xi32, #tpu.memory_space<hbm>>
      %dma_wait3A_50 = arith.constant 0 : i32
      %dma_wait3A_51 = arith.constant 0 : i32
      %dma_wait3A_52 = tpu.memref_slice %arg4[%add3A, %dma_wait3A_50, %dma_wait3A_51] : memref<32x79x128xi32, #tpu.memory_space<hbm>> -> memref<1x79x128xi32, #tpu.memory_space<hbm>>
      %dma_wait3A_53 = tpu.memref_squeeze %dma_wait3A_52 : memref<1x79x128xi32, #tpu.memory_space<hbm>> -> memref<79x128xi32, #tpu.memory_space<hbm>>
      tpu.wait_dma2 semaphore(%run_scoped3A : memref<!tpu.dma_semaphore, #tpu.memory_space<semaphore_mem>>) src(%dma_wait3A_53 : memref<79x128xi32, #tpu.memory_space<hbm>>) dst(%arg8 : memref<79x128xi32, #tpu.memory_space<vmem>>)
      tpu.yield
    }) : () -> ()
    %scan3A_26 = arith.constant 0 : i32
    %scan3A_27 = arith.constant 0 : i32
    %scan3A_28 = arith.constant 79 : i32
    %scan3A_29 = arith.addi %scan3A_27, %scan3A_28 : i32
    %scan3A_30 = arith.constant 1 : i32
    scf.for %scan3A_40 = %scan3A_27 to %scan3A_29 step %scan3A_30  : i32 {
      %dma_start3A = arith.constant 0 : i32
      %dma_start3A_41 = tpu.memref_slice %arg7[%scan3A_40, %dma_start3A] : memref<79x128xi32, #tpu.memory_space<vmem>> -> memref<1x128xi32, #tpu.memory_space<vmem>>
      %dma_start3A_42 = tpu.memref_squeeze %dma_start3A_41 : memref<1x128xi32, #tpu.memory_space<vmem>> -> memref<128xi32, #tpu.memory_space<vmem>>
      %dma_start3A_43 = arith.constant 0 : i32
      %dma_start3A_44 = arith.constant 0 : i32
      %dma_start3A_45 = tpu.memref_slice %arg2[%dma_start3A_43, %dma_start3A_44] : memref<10000x128xf32, #tpu.memory_space<hbm>> -> memref<10000x128xf32, #tpu.memory_space<hbm>>
      tpu.enqueue_indirect_dma source(%dma_start3A_45 : memref<10000x128xf32, #tpu.memory_space<hbm>>) target(%arg9 : memref<128x128xf32, #tpu.memory_space<vmem>>) offsets(%dma_start3A_42 : memref<128xi32, #tpu.memory_space<vmem>>) semaphore(%arg10 : memref<!tpu.dma_semaphore, #tpu.memory_space<semaphore_mem>>)
      %dma_wait3A = arith.constant 0 : i32
      %dma_wait3A_46 = tpu.memref_slice %arg7[%scan3A_40, %dma_wait3A] : memref<79x128xi32, #tpu.memory_space<vmem>> -> memref<1x128xi32, #tpu.memory_space<vmem>>
      %dma_wait3A_47 = tpu.memref_squeeze %dma_wait3A_46 : memref<1x128xi32, #tpu.memory_space<vmem>> -> memref<128xi32, #tpu.memory_space<vmem>>
      %dma_wait3A_48 = arith.constant 0 : i32
      %dma_wait3A_49 = arith.constant 0 : i32
      %dma_wait3A_50 = tpu.memref_slice %arg2[%dma_wait3A_48, %dma_wait3A_49] : memref<10000x128xf32, #tpu.memory_space<hbm>> -> memref<10000x128xf32, #tpu.memory_space<hbm>>
      tpu.wait_indirect_dma semaphore(%arg10 : memref<!tpu.dma_semaphore, #tpu.memory_space<semaphore_mem>>) src(%dma_wait3A_50 : memref<10000x128xf32, #tpu.memory_space<hbm>>) dst(%arg9 : memref<128x128xf32, #tpu.memory_space<vmem>>)
      "tpu.region"() ({
        %run_scoped3A = tpu.sem_alloc : memref<!tpu.dma_semaphore, #tpu.memory_space<semaphore_mem>>
        %dma_start3A_51 = arith.constant 0 : i32
        %dma_start3A_52 = tpu.memref_slice %arg8[%scan3A_40, %dma_start3A_51] : memref<79x128xi32, #tpu.memory_space<vmem>> -> memref<1x128xi32, #tpu.memory_space<vmem>>
        %dma_start3A_53 = tpu.memref_squeeze %dma_start3A_52 : memref<1x128xi32, #tpu.memory_space<vmem>> -> memref<128xi32, #tpu.memory_space<vmem>>
        %dma_start3A_54 = arith.constant 0 : i32
        %dma_start3A_55 = arith.constant 0 : i32
        %dma_start3A_56 = tpu.memref_slice %arg6[%dma_start3A_54, %dma_start3A_55] : memref<10240x128xf32, #tpu.memory_space<vmem_shared>> -> memref<10240x128xf32, #tpu.memory_space<vmem_shared>>
        tpu.enqueue_indirect_dma source(%arg9 : memref<128x128xf32, #tpu.memory_space<vmem>>) target(%dma_start3A_56 : memref<10240x128xf32, #tpu.memory_space<vmem_shared>>) offsets(%dma_start3A_53 : memref<128xi32, #tpu.memory_space<vmem>>) semaphore(%run_scoped3A : memref<!tpu.dma_semaphore, #tpu.memory_space<semaphore_mem>>) {add = true}
        %dma_wait3A_57 = arith.constant 0 : i32
        %dma_wait3A_58 = tpu.memref_slice %arg8[%scan3A_40, %dma_wait3A_57] : memref<79x128xi32, #tpu.memory_space<vmem>> -> memref<1x128xi32, #tpu.memory_space<vmem>>
        %dma_wait3A_59 = tpu.memref_squeeze %dma_wait3A_58 : memref<1x128xi32, #tpu.memory_space<vmem>> -> memref<128xi32, #tpu.memory_space<vmem>>
        %dma_wait3A_60 = arith.constant 0 : i32
        %dma_wait3A_61 = arith.constant 0 : i32
        %dma_wait3A_62 = tpu.memref_slice %arg6[%dma_wait3A_60, %dma_wait3A_61] : memref<10240x128xf32, #tpu.memory_space<vmem_shared>> -> memref<10240x128xf32, #tpu.memory_space<vmem_shared>>
        tpu.wait_indirect_dma semaphore(%run_scoped3A : memref<!tpu.dma_semaphore, #tpu.memory_space<semaphore_mem>>) src(%arg9 : memref<128x128xf32, #tpu.memory_space<vmem>>) dst(%dma_wait3A_62 : memref<10240x128xf32, #tpu.memory_space<vmem_shared>>)
        tpu.yield
      }) : () -> ()
    }
    %scan3A_31 = arith.constant 79 : i32
    %barrier3A_32 = arith.constant 0 : index
    tpu.barrier barrier_id(%barrier3A_32)
    %mul3A_33 = arith.constant 640 : i32
    %mul3A_34 = arith.muli %arg1, %mul3A_33 : i32
    %mul3A_35 = arith.constant 10240 : i32
    %mul3A_36 = arith.muli %arg0, %mul3A_35 : i32
    %mul3A_37 = arith.constant 640 : i32
    %mul3A_38 = arith.muli %arg1, %mul3A_37 : i32
    %add3A_39 = arith.addi %mul3A_36, %mul3A_38 : i32
    "tpu.region"() ({
      %run_scoped3A = tpu.sem_alloc : memref<!tpu.dma_semaphore, #tpu.memory_space<semaphore_mem>>
      %dma_start3A = arith.constant 0 : i32
      %dma_start3A_40 = tpu.memref_slice %arg5[%add3A_39, %dma_start3A] : memref<20480x128xf32, #tpu.memory_space<hbm>> -> memref<640x128xf32, #tpu.memory_space<hbm>>
      %dma_start3A_41 = arith.constant 0 : i32
      %dma_start3A_42 = tpu.memref_slice %arg6[%mul3A_34, %dma_start3A_41] : memref<10240x128xf32, #tpu.memory_space<vmem_shared>> -> memref<640x128xf32, #tpu.memory_space<vmem_shared>>
      tpu.enqueue_dma source(%dma_start3A_42 : memref<640x128xf32, #tpu.memory_space<vmem_shared>>) target(%dma_start3A_40 : memref<640x128xf32, #tpu.memory_space<hbm>>) target_semaphore(%run_scoped3A : memref<!tpu.dma_semaphore, #tpu.memory_space<semaphore_mem>>)
      %dma_wait3A = arith.constant 0 : i32
      %dma_wait3A_43 = tpu.memref_slice %arg5[%add3A_39, %dma_wait3A] : memref<20480x128xf32, #tpu.memory_space<hbm>> -> memref<640x128xf32, #tpu.memory_space<hbm>>
      %dma_wait3A_44 = arith.constant 0 : i32
      %dma_wait3A_45 = tpu.memref_slice %arg6[%mul3A_34, %dma_wait3A_44] : memref<10240x128xf32, #tpu.memory_space<vmem_shared>> -> memref<640x128xf32, #tpu.memory_space<vmem_shared>>
      tpu.wait_dma2 semaphore(%run_scoped3A : memref<!tpu.dma_semaphore, #tpu.memory_space<semaphore_mem>>) src(%dma_wait3A_45 : memref<640x128xf32, #tpu.memory_space<vmem_shared>>) dst(%dma_wait3A_43 : memref<640x128xf32, #tpu.memory_space<hbm>>)
      tpu.yield
    }) : () -> ()
    return
  }
}

module attributes {stable_mosaic.version = 14 : i64} {
  func.func @_tc_head_body(%arg0: memref<10000x128xf32, #tpu.memory_space<vmem>>, %arg1: memref<10000x128xf32, #tpu.memory_space<vmem>>, %arg2: memref<10000x128xf32, #tpu.memory_space<vmem>>, %arg3: memref<10000x128xf32, #tpu.memory_space<vmem>>, %arg4: memref<512x128xf32, #tpu.memory_space<vmem>>, %arg5: memref<1x128xf32, #tpu.memory_space<vmem>>, %arg6: memref<128x64xf32, #tpu.memory_space<vmem>>, %arg7: memref<1x64xf32, #tpu.memory_space<vmem>>, %arg8: memref<10000x64xf32, #tpu.memory_space<vmem>>) attributes {dimension_semantics = [], scalar_prefetch = 0 : i64, scratch_operands = 0 : i64, tpu.core_type = #tpu.core_type<tc>} {
    %get3A = arith.constant 0 : index
    %get3A_0 = arith.constant 0 : index
    %get3A_1 = vector.load %arg0[%get3A, %get3A_0] : memref<10000x128xf32, #tpu.memory_space<vmem>>, vector<10000x128xf32>
    %get3A_2 = arith.constant 0 : index
    %get3A_3 = arith.constant 0 : index
    %get3A_4 = vector.load %arg4[%get3A_2, %get3A_3] : memref<512x128xf32, #tpu.memory_space<vmem>>, vector<128x128xf32>
    %dot_general3A = arith.constant dense<0.000000e+00> : vector<10000x128xf32>
    %dot_general3A_5 = tpu.matmul %get3A_1, %get3A_4, %dot_general3A {dimension_numbers = #tpu.dot_dimension_numbers<[1], [0], [0], [1], [0, 0, 1, 1], [], []>, transpose_lhs_hint = false} : vector<10000x128xf32>, vector<128x128xf32>, vector<10000x128xf32> -> vector<10000x128xf32>
    %get3A_6 = arith.constant 0 : index
    %get3A_7 = arith.constant 0 : index
    %get3A_8 = vector.load %arg1[%get3A_6, %get3A_7] : memref<10000x128xf32, #tpu.memory_space<vmem>>, vector<10000x128xf32>
    %get3A_9 = arith.constant 128 : index
    %get3A_10 = arith.constant 0 : index
    %get3A_11 = vector.load %arg4[%get3A_9, %get3A_10] : memref<512x128xf32, #tpu.memory_space<vmem>>, vector<128x128xf32>
    %dot_general3A_12 = arith.constant dense<0.000000e+00> : vector<10000x128xf32>
    %dot_general3A_13 = tpu.matmul %get3A_8, %get3A_11, %dot_general3A_12 {dimension_numbers = #tpu.dot_dimension_numbers<[1], [0], [0], [1], [0, 0, 1, 1], [], []>, transpose_lhs_hint = false} : vector<10000x128xf32>, vector<128x128xf32>, vector<10000x128xf32> -> vector<10000x128xf32>
    %add3A = arith.addf %dot_general3A_5, %dot_general3A_13 : vector<10000x128xf32>
    %get3A_14 = arith.constant 0 : index
    %get3A_15 = arith.constant 0 : index
    %get3A_16 = vector.load %arg2[%get3A_14, %get3A_15] : memref<10000x128xf32, #tpu.memory_space<vmem>>, vector<10000x128xf32>
    %get3A_17 = arith.constant 256 : index
    %get3A_18 = arith.constant 0 : index
    %get3A_19 = vector.load %arg4[%get3A_17, %get3A_18] : memref<512x128xf32, #tpu.memory_space<vmem>>, vector<128x128xf32>
    %dot_general3A_20 = arith.constant dense<0.000000e+00> : vector<10000x128xf32>
    %dot_general3A_21 = tpu.matmul %get3A_16, %get3A_19, %dot_general3A_20 {dimension_numbers = #tpu.dot_dimension_numbers<[1], [0], [0], [1], [0, 0, 1, 1], [], []>, transpose_lhs_hint = false} : vector<10000x128xf32>, vector<128x128xf32>, vector<10000x128xf32> -> vector<10000x128xf32>
    %add3A_22 = arith.addf %add3A, %dot_general3A_21 : vector<10000x128xf32>
    %get3A_23 = arith.constant 0 : index
    %get3A_24 = arith.constant 0 : index
    %get3A_25 = vector.load %arg3[%get3A_23, %get3A_24] : memref<10000x128xf32, #tpu.memory_space<vmem>>, vector<10000x128xf32>
    %get3A_26 = arith.constant 384 : index
    %get3A_27 = arith.constant 0 : index
    %get3A_28 = vector.load %arg4[%get3A_26, %get3A_27] : memref<512x128xf32, #tpu.memory_space<vmem>>, vector<128x128xf32>
    %dot_general3A_29 = arith.constant dense<0.000000e+00> : vector<10000x128xf32>
    %dot_general3A_30 = tpu.matmul %get3A_25, %get3A_28, %dot_general3A_29 {dimension_numbers = #tpu.dot_dimension_numbers<[1], [0], [0], [1], [0, 0, 1, 1], [], []>, transpose_lhs_hint = false} : vector<10000x128xf32>, vector<128x128xf32>, vector<10000x128xf32> -> vector<10000x128xf32>
    %add3A_31 = arith.addf %add3A_22, %dot_general3A_30 : vector<10000x128xf32>
    %get3A_32 = arith.constant 0 : index
    %get3A_33 = arith.constant 0 : index
    %get3A_34 = vector.load %arg5[%get3A_32, %get3A_33] : memref<1x128xf32, #tpu.memory_space<vmem>>, vector<1x128xf32>
    %get3A_35 = vector.shape_cast %get3A_34 : vector<1x128xf32> to vector<128xf32>
    %broadcast_in_dim3A = vector.shape_cast %get3A_35 : vector<128xf32> to vector<1x128xf32>
    %add3A_36 = vector.broadcast %broadcast_in_dim3A : vector<1x128xf32> to vector<10000x128xf32>
    %add3A_37 = arith.addf %add3A_31, %add3A_36 : vector<10000x128xf32>
    %max3A = arith.constant 0.000000e+00 : f32
    %max3A_38 = vector.broadcast %max3A : f32 to vector<10000x128xf32>
    %max3A_39 = arith.maximumf %add3A_37, %max3A_38 : vector<10000x128xf32>
    %get3A_40 = arith.constant 0 : index
    %get3A_41 = arith.constant 0 : index
    %get3A_42 = vector.load %arg6[%get3A_40, %get3A_41] : memref<128x64xf32, #tpu.memory_space<vmem>>, vector<128x64xf32>
    %dot_general3A_43 = arith.constant dense<0.000000e+00> : vector<10000x64xf32>
    %dot_general3A_44 = tpu.matmul %max3A_39, %get3A_42, %dot_general3A_43 {dimension_numbers = #tpu.dot_dimension_numbers<[1], [0], [0], [1], [0, 0, 1, 1], [], []>, transpose_lhs_hint = false} : vector<10000x128xf32>, vector<128x64xf32>, vector<10000x64xf32> -> vector<10000x64xf32>
    %get3A_45 = arith.constant 0 : index
    %get3A_46 = arith.constant 0 : index
    %get3A_47 = vector.load %arg7[%get3A_45, %get3A_46] : memref<1x64xf32, #tpu.memory_space<vmem>>, vector<1x64xf32>
    %get3A_48 = vector.shape_cast %get3A_47 : vector<1x64xf32> to vector<64xf32>
    %broadcast_in_dim3A_49 = vector.shape_cast %get3A_48 : vector<64xf32> to vector<1x64xf32>
    %add3A_50 = vector.broadcast %broadcast_in_dim3A_49 : vector<1x64xf32> to vector<10000x64xf32>
    %add3A_51 = arith.addf %dot_general3A_44, %add3A_50 : vector<10000x64xf32>
    %swap3A = arith.constant 0 : index
    %swap3A_52 = arith.constant 0 : index
    %swap3A_53 = vector.load %arg8[%swap3A, %swap3A_52] : memref<10000x64xf32, #tpu.memory_space<vmem>>, vector<10000x64xf32>
    tpu.vector_store %arg8[%swap3A, %swap3A_52], %add3A_51 {strides = array<i32>} : memref<10000x64xf32, #tpu.memory_space<vmem>>, vector<10000x64xf32>,
    return
  }
}

module attributes {stable_mosaic.version = 14 : i64} {
  func.func @_tc_mlp_body(%arg0: memref<10000x128xf32, #tpu.memory_space<vmem>>, %arg1: memref<20480x128xf32, #tpu.memory_space<vmem>>, %arg2: memref<1x1xf32, #tpu.memory_space<vmem>>, %arg3: memref<128x128xf32, #tpu.memory_space<vmem>>, %arg4: memref<1x128xf32, #tpu.memory_space<vmem>>, %arg5: memref<128x128xf32, #tpu.memory_space<vmem>>, %arg6: memref<1x128xf32, #tpu.memory_space<vmem>>, %arg7: memref<1x128xf32, #tpu.memory_space<vmem>>, %arg8: memref<1x128xf32, #tpu.memory_space<vmem>>, %arg9: memref<10000x128xf32, #tpu.memory_space<vmem>>) attributes {dimension_semantics = [], scalar_prefetch = 0 : i64, scratch_operands = 0 : i64, tpu.core_type = #tpu.core_type<tc>} {
    %get3A = arith.constant 0 : index
    %get3A_0 = arith.constant 0 : index
    %get3A_1 = vector.load %arg2[%get3A, %get3A_0] : memref<1x1xf32, #tpu.memory_space<vmem>>, vector<1x1xf32>
    %get3A_2 = vector.extract %get3A_1[0, 0] : f32 from vector<1x1xf32>
    %add3A = arith.constant 1.000000e+00 : f32
    %add3A_3 = arith.addf %add3A, %get3A_2 : f32
    %get3A_4 = arith.constant 0 : index
    %get3A_5 = arith.constant 0 : index
    %get3A_6 = vector.load %arg0[%get3A_4, %get3A_5] : memref<10000x128xf32, #tpu.memory_space<vmem>>, vector<10000x128xf32>
    %mul3A = vector.broadcast %add3A_3 : f32 to vector<10000x128xf32>
    %mul3A_7 = arith.mulf %mul3A, %get3A_6 : vector<10000x128xf32>
    %get3A_8 = arith.constant 0 : index
    %get3A_9 = arith.constant 0 : index
    %get3A_10 = vector.load %arg1[%get3A_8, %get3A_9] : memref<20480x128xf32, #tpu.memory_space<vmem>>, vector<10000x128xf32>
    %add3A_11 = arith.addf %mul3A_7, %get3A_10 : vector<10000x128xf32>
    %get3A_12 = arith.constant 10240 : index
    %get3A_13 = arith.constant 0 : index
    %get3A_14 = vector.load %arg1[%get3A_12, %get3A_13] : memref<20480x128xf32, #tpu.memory_space<vmem>>, vector<10000x128xf32>
    %add3A_15 = arith.addf %add3A_11, %get3A_14 : vector<10000x128xf32>
    %get3A_16 = arith.constant 0 : index
    %get3A_17 = arith.constant 0 : index
    %get3A_18 = vector.load %arg3[%get3A_16, %get3A_17] : memref<128x128xf32, #tpu.memory_space<vmem>>, vector<128x128xf32>
    %dot_general3A = arith.constant dense<0.000000e+00> : vector<10000x128xf32>
    %dot_general3A_19 = tpu.matmul %add3A_15, %get3A_18, %dot_general3A {dimension_numbers = #tpu.dot_dimension_numbers<[1], [0], [0], [1], [0, 0, 1, 1], [], []>, transpose_lhs_hint = false} : vector<10000x128xf32>, vector<128x128xf32>, vector<10000x128xf32> -> vector<10000x128xf32>
    %get3A_20 = arith.constant 0 : index
    %get3A_21 = arith.constant 0 : index
    %get3A_22 = vector.load %arg4[%get3A_20, %get3A_21] : memref<1x128xf32, #tpu.memory_space<vmem>>, vector<1x128xf32>
    %get3A_23 = vector.shape_cast %get3A_22 : vector<1x128xf32> to vector<128xf32>
    %broadcast_in_dim3A = vector.shape_cast %get3A_23 : vector<128xf32> to vector<1x128xf32>
    %add3A_24 = vector.broadcast %broadcast_in_dim3A : vector<1x128xf32> to vector<10000x128xf32>
    %add3A_25 = arith.addf %dot_general3A_19, %add3A_24 : vector<10000x128xf32>
    %max3A = arith.constant 0.000000e+00 : f32
    %max3A_26 = vector.broadcast %max3A : f32 to vector<10000x128xf32>
    %max3A_27 = arith.maximumf %add3A_25, %max3A_26 : vector<10000x128xf32>
    %get3A_28 = arith.constant 0 : index
    %get3A_29 = arith.constant 0 : index
    %get3A_30 = vector.load %arg5[%get3A_28, %get3A_29] : memref<128x128xf32, #tpu.memory_space<vmem>>, vector<128x128xf32>
    %dot_general3A_31 = arith.constant dense<0.000000e+00> : vector<10000x128xf32>
    %dot_general3A_32 = tpu.matmul %max3A_27, %get3A_30, %dot_general3A_31 {dimension_numbers = #tpu.dot_dimension_numbers<[1], [0], [0], [1], [0, 0, 1, 1], [], []>, transpose_lhs_hint = false} : vector<10000x128xf32>, vector<128x128xf32>, vector<10000x128xf32> -> vector<10000x128xf32>
    %get3A_33 = arith.constant 0 : index
    %get3A_34 = arith.constant 0 : index
    %get3A_35 = vector.load %arg6[%get3A_33, %get3A_34] : memref<1x128xf32, #tpu.memory_space<vmem>>, vector<1x128xf32>
    %get3A_36 = vector.shape_cast %get3A_35 : vector<1x128xf32> to vector<128xf32>
    %broadcast_in_dim3A_37 = vector.shape_cast %get3A_36 : vector<128xf32> to vector<1x128xf32>
    %add3A_38 = vector.broadcast %broadcast_in_dim3A_37 : vector<1x128xf32> to vector<10000x128xf32>
    %add3A_39 = arith.addf %dot_general3A_32, %add3A_38 : vector<10000x128xf32>
    %reduce_sum3A = arith.constant dense<0.000000e+00> : vector<128xf32>
    %reduce_sum3A_40 = vector.multi_reduction <add>, %add3A_39, %reduce_sum3A [0] : vector<10000x128xf32> to vector<128xf32>
    %broadcast_in_dim3A_41 = vector.shape_cast %reduce_sum3A_40 : vector<128xf32> to vector<1x128xf32>
    %div3A = arith.constant 1.000000e+04 : f32
    %div3A_42 = vector.broadcast %div3A : f32 to vector<1x128xf32>
    %div3A_43 = arith.divf %broadcast_in_dim3A_41, %div3A_42 : vector<1x128xf32>
    %sub3A = vector.broadcast %div3A_43 : vector<1x128xf32> to vector<10000x128xf32>
    %sub3A_44 = arith.subf %add3A_39, %sub3A : vector<10000x128xf32>
    %integer_pow3A = arith.mulf %sub3A_44, %sub3A_44 : vector<10000x128xf32>
    %reduce_sum3A_45 = arith.constant dense<0.000000e+00> : vector<128xf32>
    %reduce_sum3A_46 = vector.multi_reduction <add>, %integer_pow3A, %reduce_sum3A_45 [0] : vector<10000x128xf32> to vector<128xf32>
    %broadcast_in_dim3A_47 = vector.shape_cast %reduce_sum3A_46 : vector<128xf32> to vector<1x128xf32>
    %div3A_48 = arith.constant 1.000000e+04 : f32
    %div3A_49 = vector.broadcast %div3A_48 : f32 to vector<1x128xf32>
    %div3A_50 = arith.divf %broadcast_in_dim3A_47, %div3A_49 : vector<1x128xf32>
    %sub3A_51 = vector.broadcast %div3A_43 : vector<1x128xf32> to vector<10000x128xf32>
    %sub3A_52 = arith.subf %add3A_39, %sub3A_51 : vector<10000x128xf32>
    %add3A_53 = arith.constant 9.99999974E-6 : f32
    %add3A_54 = vector.broadcast %add3A_53 : f32 to vector<1x128xf32>
    %add3A_55 = arith.addf %div3A_50, %add3A_54 : vector<1x128xf32>
    %rsqrt3A = math.rsqrt %add3A_55 : vector<1x128xf32>
    %mul3A_56 = vector.broadcast %rsqrt3A : vector<1x128xf32> to vector<10000x128xf32>
    %mul3A_57 = arith.mulf %sub3A_52, %mul3A_56 : vector<10000x128xf32>
    %get3A_58 = arith.constant 0 : index
    %get3A_59 = arith.constant 0 : index
    %get3A_60 = vector.load %arg7[%get3A_58, %get3A_59] : memref<1x128xf32, #tpu.memory_space<vmem>>, vector<1x128xf32>
    %get3A_61 = vector.shape_cast %get3A_60 : vector<1x128xf32> to vector<128xf32>
    %broadcast_in_dim3A_62 = vector.shape_cast %get3A_61 : vector<128xf32> to vector<1x128xf32>
    %mul3A_63 = vector.broadcast %broadcast_in_dim3A_62 : vector<1x128xf32> to vector<10000x128xf32>
    %mul3A_64 = arith.mulf %mul3A_57, %mul3A_63 : vector<10000x128xf32>
    %get3A_65 = arith.constant 0 : index
    %get3A_66 = arith.constant 0 : index
    %get3A_67 = vector.load %arg8[%get3A_65, %get3A_66] : memref<1x128xf32, #tpu.memory_space<vmem>>, vector<1x128xf32>
    %get3A_68 = vector.shape_cast %get3A_67 : vector<1x128xf32> to vector<128xf32>
    %broadcast_in_dim3A_69 = vector.shape_cast %get3A_68 : vector<128xf32> to vector<1x128xf32>
    %add3A_70 = vector.broadcast %broadcast_in_dim3A_69 : vector<1x128xf32> to vector<10000x128xf32>
    %add3A_71 = arith.addf %mul3A_64, %add3A_70 : vector<10000x128xf32>
    %max3A_72 = arith.constant 0.000000e+00 : f32
    %max3A_73 = vector.broadcast %max3A_72 : f32 to vector<10000x128xf32>
    %max3A_74 = arith.maximumf %add3A_71, %max3A_73 : vector<10000x128xf32>
    %swap3A = arith.constant 0 : index
    %swap3A_75 = arith.constant 0 : index
    %swap3A_76 = vector.load %arg9[%swap3A, %swap3A_75] : memref<10000x128xf32, #tpu.memory_space<vmem>>, vector<10000x128xf32>
    tpu.vector_store %arg9[%swap3A, %swap3A_75], %max3A_74 {strides = array<i32>} : memref<10000x128xf32, #tpu.memory_space<vmem>>, vector<10000x128xf32>,
    return
  }
}

module attributes {stable_mosaic.version = 14 : i64} {
  func.func @_tc_in_body(%arg0: memref<10000x128xf32, #tpu.memory_space<vmem>>, %arg1: memref<128x128xf32, #tpu.memory_space<vmem>>, %arg2: memref<1x128xf32, #tpu.memory_space<vmem>>, %arg3: memref<10000x128xf32, #tpu.memory_space<vmem>>) attributes {dimension_semantics = [], scalar_prefetch = 0 : i64, scratch_operands = 0 : i64, tpu.core_type = #tpu.core_type<tc>} {
    %get3A = arith.constant 0 : index
    %get3A_0 = arith.constant 0 : index
    %get3A_1 = vector.load %arg0[%get3A, %get3A_0] : memref<10000x128xf32, #tpu.memory_space<vmem>>, vector<10000x128xf32>
    %get3A_2 = arith.constant 0 : index
    %get3A_3 = arith.constant 0 : index
    %get3A_4 = vector.load %arg1[%get3A_2, %get3A_3] : memref<128x128xf32, #tpu.memory_space<vmem>>, vector<128x128xf32>
    %dot_general3A = arith.constant dense<0.000000e+00> : vector<10000x128xf32>
    %dot_general3A_5 = tpu.matmul %get3A_1, %get3A_4, %dot_general3A {dimension_numbers = #tpu.dot_dimension_numbers<[1], [0], [0], [1], [0, 0, 1, 1], [], []>, transpose_lhs_hint = false} : vector<10000x128xf32>, vector<128x128xf32>, vector<10000x128xf32> -> vector<10000x128xf32>
    %get3A_6 = arith.constant 0 : index
    %get3A_7 = arith.constant 0 : index
    %get3A_8 = vector.load %arg2[%get3A_6, %get3A_7] : memref<1x128xf32, #tpu.memory_space<vmem>>, vector<1x128xf32>
    %get3A_9 = vector.shape_cast %get3A_8 : vector<1x128xf32> to vector<128xf32>
    %broadcast_in_dim3A = vector.shape_cast %get3A_9 : vector<128xf32> to vector<1x128xf32>
    %add3A = vector.broadcast %broadcast_in_dim3A : vector<1x128xf32> to vector<10000x128xf32>
    %add3A_10 = arith.addf %dot_general3A_5, %add3A : vector<10000x128xf32>
    %swap3A = arith.constant 0 : index
    %swap3A_11 = arith.constant 0 : index
    %swap3A_12 = vector.load %arg3[%swap3A, %swap3A_11] : memref<10000x128xf32, #tpu.memory_space<vmem>>, vector<10000x128xf32>
    tpu.vector_store %arg3[%swap3A, %swap3A_11], %add3A_10 {strides = array<i32>} : memref<10000x128xf32, #tpu.memory_space<vmem>>, vector<10000x128xf32>,
    return
  }
}

</mosaic_0001>

<sc_bundles>
// kernel: kernel.10.cloned.1.call-start
scs
__scs_entry_jumppad:
0x0: {  	(pc) =	sbr.rel $0x88, $3  }
0x1: {  	(tag) =	ssettag $0x0;
	lr =	simm.s32 $0x1  }
0x2: {  	[smem:$0x3F84] =	sst lr;
	_ =	strace $0xD0000000  }
0x3: {  	_ = 	snop  }
0x4: {  	_ = 	snop  }
0x5: {  	_ = 	snop  }
0x6: {  	_ = 	snop  }
0x7: {  	_ = 	snop  }
__scs_overlays_trampoline_lowered:
0x8: {  	[smem:$0x3F93] =	sst s0  }
0x9: {  	[smem:$0x3F94] =	sst s1  }
0xa: {  	[smem:$0x3F95] =	sst s2  }
0xb: {  	[smem:$0x3F96] =	sst s3  }
0xc: {  	[smem:$0x3F97] =	sst s4  }
0xd: {  	[smem:$0x3F98] =	sst s5  }
0xe: {  	[smem:$0x3F99] =	sst s6  }
0xf: {  	[smem:$0x3F9A] =	sst s7  }
0x10: {  	[smem:$0x3F9B] =	sst s8  }
0x11: {  	[smem:$0x3F9C] =	sst s9;
	s0 =	simm.s32 @!p0 $0x0  }
0x12: {  	s1 =	sld [smem:$0x3F82];
	s0 =	simm.s32 @p0 $0x1  }
0x13: {  	[smem:$0x3F9D] =	sst s0;
	s0 =	simm.s32 @!p1 $0x0  }
0x14: {  	s2 =	sld [smem:$0x3F81];
	s0 =	simm.s32 @p1 $0x1  }
0x15: {  	[smem:$0x3F9E] =	sst s0;
	s0 =	simm.s32 @!p2 $0x0  }
0x16: {  	s3 =	sld [smem:$0x3FDB];
	s0 =	simm.s32 @p2 $0x1  }
0x17: {  	s4 =	simm.s32 $0x1BF5;
	[smem:$0x3FA0] =	sst s0  }
0x18: {  	s0 =	sld [smem:$0x3F83];
	_ =	swait.ge [sflag:s4], $0x0  }
0x19: {  	s7 =	sld [smem:$0x3F84]  }
0x1a: {  	s8 =	sadd.s32 $0xFFFFE003, lr  }
0x1b: {  	s9 =	sadd.s32 $0xFFFFFEF7, lr;
	s5 =	simm.s32 $0xFFFFFFFF;
	p2 =	slt.u32 s8, $0xFFFFF086  }
0x1c: {  	p1 =	slt.u32 s9, $0xF7A;
	s5 =	simm.s32 @!p2 $0x0  }
0x1d: {  	s5 =	simm.s32 @p1 $0x1;
	p0 =	seq.s32 s7, s2  }
0x1e: {  	s7 =	smul.u32 @!p0 $0xF7A, s2;
	p2 =	seq.s32 @!p0 s5, $0x0  }
0x1f: {  	s9 =	smul.u32 $0xF7A, s1;
	s8 =	simm.s32 @!p0 $0x1BF5;
	p2 =	por !p2, p0  }
0x20: {  	[sflag:s8] =	ssyncset.s32 @!p0 $0xFFFFF086;
	s6 =	sadd.s32 @!p0 s3, s7;
	s7 =	simm.s32 @!p0 $0x108  }
0x21: {  	s3 =	sadd.s32 s3, s9;
	s6 =	sadd.s32 @!p0 $0x88, s6;
	s7 =	simm.s32 @p2 $0x1082  }
0x22: {  	[simem:s7], [sflag:s8] =	dma.local @!p0 [hbm:s6], $0xF7A  }
0x23: {  	s9 =	sor.u32 $0xD0000000, s2;
	s6 =	simm.s32 $0x108;
	_ =	swait.ge @!p0 [sflag:s8], $0x0  }
0x24: {  	s3 =	sadd.s32 $0x88, s3;
	s6 =	simm.s32 @!p1 $0x1082;
	[sflag:s4] =	ssyncset.s32 $0xFFFFF086  }
0x25: {  	[simem:s6], [sflag:s4] =	dma.local [hbm:s3], $0xF7A  }
0x26: {  	[smem:$0x3F84] =	sst s1;
	(tag) =	ssettag s2;
	_ =	strace s9  }
0x27: {  	s1 =	sld [smem:$0x3F94]  }
0x28: {  	s2 =	sld [smem:$0x3F95]  }
0x29: {  	s4 =	sld [smem:$0x3F97]  }
0x2a: {  	p0 =	seq.s32 s5, $0x0;
	s5 =	sld [smem:$0x3F98]  }
0x2b: {  	s6 =	sld [smem:$0x3F99]  }
0x2c: {  	s7 =	sld [smem:$0x3F9A]  }
0x2d: {  	s3 =	simm.s32 $0x108;
	s8 =	sld [smem:$0x3F9B]  }
0x2e: {  	s3 =	simm.s32 @!p0 $0x1082;
	s9 =	sld [smem:$0x3F9C]  }
0x2f: {  	lr =	sadd.s32 s0, s3;
	s0 =	sld [smem:$0x3F93]  }
0x30: {  	s3 =	sld [smem:$0x3F96]  }
0x31: {  	[smem:$0x3F9F] =	sst s10  }
0x32: {  	s10 =	sld [smem:$0x3F9D];
	_ =	sdelay $0x3  }
0x33: {  	p0 =	seq.s32 s10, $0x1;
	s10 =	sld [smem:$0x3F9F];
	_ =	sdelay $0x3  }
0x34: {  	[smem:$0x3F9F] =	sst s10  }
0x35: {  	s10 =	sld [smem:$0x3F9E];
	_ =	sdelay $0x3  }
0x36: {  	p1 =	seq.s32 s10, $0x1;
	s10 =	sld [smem:$0x3F9F];
	_ =	sdelay $0x3  }
0x37: {  	[smem:$0x3F9F] =	sst s10  }
0x38: {  	s10 =	sld [smem:$0x3FA0]  }
0x39: {  	_ = 	snop;
	(pc) =	sbr.ind lr, $3  }
0x3a: {  	_ = 	snop  }
0x3b: {  	_ = 	snop  }
0x3c: {  	p2 =	seq.s32 s10, $0x1;
	s10 =	sld [smem:$0x3F9F]  }
0x3d: {  	_ =	shalt  }
0x3e: {  	_ =	shalt  }
0x3f: {  	_ =	shalt  }
0x40: {  	_ =	shalt  }
0x41: {  	_ =	shalt  }
0x42: {  	_ =	shalt  }
0x43: {  	_ =	shalt  }
0x44: {  	_ =	shalt  }
0x45: {  	_ =	shalt  }
0x46: {  	_ =	shalt  }
0x47: {  	_ =	shalt  }
0x48: {  	_ =	shalt  }
0x49: {  	_ =	shalt  }
0x4a: {  	_ =	shalt  }
0x4b: {  	_ =	shalt  }
0x4c: {  	_ =	shalt  }
0x4d: {  	_ =	shalt  }
0x4e: {  	_ =	shalt  }
0x4f: {  	_ =	shalt  }
0x50: {  	_ =	shalt  }
0x51: {  	_ =	shalt  }
0x52: {  	_ =	shalt  }
0x53: {  	_ =	shalt  }
0x54: {  	_ =	shalt  }
0x55: {  	_ =	shalt  }
0x56: {  	_ =	shalt  }
0x57: {  	_ =	shalt  }
0x58: {  	_ =	shalt  }
0x59: {  	_ =	shalt  }
0x5a: {  	_ =	shalt  }
0x5b: {  	_ =	shalt  }
0x5c: {  	_ =	shalt  }
0x5d: {  	_ =	shalt  }
0x5e: {  	_ =	shalt  }
0x5f: {  	_ =	shalt  }
0x60: {  	_ =	shalt  }
0x61: {  	_ =	shalt  }
0x62: {  	_ =	shalt  }
0x63: {  	_ =	shalt  }
0x64: {  	_ =	shalt  }
0x65: {  	_ =	shalt  }
0x66: {  	_ =	shalt  }
0x67: {  	_ =	shalt  }
0x68: {  	_ =	shalt  }
0x69: {  	_ =	shalt  }
0x6a: {  	_ =	shalt  }
0x6b: {  	_ =	shalt  }
0x6c: {  	_ =	shalt  }
0x6d: {  	_ =	shalt  }
0x6e: {  	_ =	shalt  }
0x6f: {  	_ =	shalt  }
0x70: {  	_ =	shalt  }
0x71: {  	_ =	shalt  }
0x72: {  	_ =	shalt  }
0x73: {  	_ =	shalt  }
0x74: {  	_ =	shalt  }
0x75: {  	_ =	shalt  }
0x76: {  	_ =	shalt  }
0x77: {  	_ =	shalt  }
0x78: {  	_ =	shalt  }
0x79: {  	_ =	shalt  }
0x7a: {  	_ =	shalt  }
0x7b: {  	_ =	shalt  }
0x7c: {  	_ =	shalt  }
0x7d: {  	_ =	shalt  }
0x7e: {  	_ =	shalt  }
0x7f: {  	_ =	shalt  }
0x80: {  	_ =	shalt  }
0x81: {  	_ =	shalt  }
0x82: {  	_ =	shalt  }
0x83: {  	_ =	shalt  }
0x84: {  	_ =	shalt  }
0x85: {  	_ =	shalt  }
0x86: {  	_ =	shalt  }
0x87: {  	_ =	shalt  }
.Lfunc_end0:
.L_simem_size_0:
called_computation_lowered:
.L_overlay_start_0:
0x88: {  	s2 =	sld [smem:$0x3FD9]  }
0x89: {  	s3 =	sld [smem:$0x3FFE];
	_ =	sdelay $0x1  }
0x8a: {  	s1 =	srdreg.scid  }
0x8b: {  	s0 =	sand.u32 $0x1, s1  }
0x8c: {  	s17 =	sshll.u32 s0, $0xA;
	s2 =	sadd.s32 s3, s2  }
0x8d: {  	s2 =	sadd.s32 s2, s17  }
0x8e: {  	[smem:$0x3FAB] =	sst s2  }
0x8f: {  	_ = 	snop  }
0x90: {  	s2 =	sld [smem:$0x3FD0];
	(tm) =	ssettm $0x1  }
0x91: {  	s18 =	sld [smem:$0x3FFB];
	_ =	sdelay $0x3  }
0x92: {  	_ =	strace s18  }
0x93: {  	s3 =	sld [smem:$0x3FFC];
	_ =	sdelay $0x3  }
0x94: {  	_ =	strace s3  }
0x95: {  	s3 =	sld [smem:$0x3FFD];
	_ =	sdelay $0x3  }
0x96: {  	_ =	strace s3  }
0x97: {  	_ =	strace $0x8FFFFFFF  }
0x98: {  	s19 =	sld [smem:$0x3FDB];
	_ =	sdelay $0x1  }
0x99: {  	s4 =	simm.s32 $_scs_section_size  }
0x9a: {  	s5 =	simm.s32 $_size__tile_overlayer_lowered;
	s6 =	simm.s32 $_tile_overlayer_lowered  }
0x9b: {  	s22 =	simm.s32 $0x1BFF;
	s21 =	sshll.u32 s6, $0x1;
	s3 =	sadd.s32 s4, s19  }
0x9c: {  	s7 =	simm.s32 $0x0;
	s20 =	sshll.u32 s5, $0x1;
	s5 =	sadd.s32 s21, s3  }
0x9d: {  	[timem:s7], [sflag:s22] =	dma.local [hbm:s5], s20  }
0x9e: {  	_ =	swait.ge [sflag:s22], s20  }
0x9f: {  	s4 =	ssub.s32 $0x0, s20;
	[sflag:s22] =	ssyncset.done $0x0  }
0xa0: {  	[sflag:s22] =	ssyncadd.s32 s4;
	_ =	sdelay $0x1  }
0xa1: {  	s23 =	simm.s32 $0x1B8B  }
0xa2: {  	_ =	swait.ge [sflag:s23], $0x1  }
0xa3: {  	[sflag:s23] =	ssyncset.done $0x0  }
0xa4: {  	s25 =	simm.s32 $0x1B8E;
	s24 =	sld [smem:$0x3FFE];
	[sflag:s23] =	ssyncadd.s32 $0xFFFFFFFF  }
0xa5: {  	s26 =	simm.s32 $execute0_lowered;
	[smem:$0x3FD2] =	sst s25  }
0xa6: {  	s5 =	sshll.u32 s26, $0x1;
	_ =	strace $0x80000046;
	[dreg:$0x1] =	wrdreg $0xFFFFFFFF  }
0xa7: {  	s28 =	simm.s32 $_size_execute0_lowered;
	s3 =	sadd.s32 s3, s5;
	[dreg:$0x0] =	wrdreg $0x0  }
0xa8: {  	s5 =	sshll.u32 s28, $0x1;
	[dreg:$0x2] =	wrdreg s3  }
0xa9: {  	[dreg:$0x3] =	wrdreg s5  }
0xaa: {  	[dreg:$0x4] =	wrdreg $0xC0  }
0xab: {  	_ =	task [dreg:s7], $0x5FFFF  }
0xac: {  	[dreg:$0x1] =	wrdreg $0xFFFFFFFF  }
0xad: {  	[dreg:$0x0] =	wrdreg $0x60  }
0xae: {  	[dreg:$0x2] =	wrdreg s24  }
0xaf: {  	[dreg:$0x3] =	wrdreg s2  }
0xb0: {  	[dreg:$0x4] =	wrdreg $0x0  }
0xb1: {  	[dreg:$0x5] =	wrdreg $0x9  }
0xb2: {  	_ =	task.clear_ibuf [dreg:s7], $0x6FFFF;
	_ =	strace $0x90000046  }
0xb3: {  	s29 =	simm.s32 $0x9;
	_ =	strace $0x80000048  }
0xb4: {  	_ =	swait.ge [sflag:s29], $0x1  }
0xb5: {  	[sflag:s29] =	ssyncadd.s32 $0xFFFFFFFF  }
0xb6: {  	_ =	strace $0x90000048  }
0xb7: {  	_ =	sfence  }
0xb8: {  	s30 =	sld [smem:$0x0];
	_ =	sdelay $0x2  }
0xb9: {  	s31 =	sshll.u32 s1, $0xD;
	s1 =	sshrl.u32 s1, $0x2  }
0xba: {  	s3 =	sand.u32 $0x4000, s31;
	s1 =	sadd.s32 s1, s30  }
0xbb: {  	s0 =	sor.u32 s3, s0;
	s1 =	sshll.u32 s1, $0x11  }
0xbc: {  	s0 =	sor.u32 s1, s0  }
0xbd: {  	s0 =	sadd.s32 $0x8F2B, s0  }
0xbe: {  	[sflag:s0] =	ssyncadd.remote.s32 $0x1  }
0xbf: {  	_ =	sfence.sel $0xFFFF  }
0xc0: {  	[dreg:$0x0] =	wrdreg $0xFFFFFFFF;
	(pc) =	sbr.abs _section_cstart, $3  }
0xc1: {  	[dreg:$0x1] =	wrdreg $0xFFFFFFFF  }
0xc2: {  	_ =	task.clear_ibuf [dreg:s7], $0x2FFFF;
	_ =	strace $0x9FFFFFFF  }
0xc3: {  	(tm) =	ssettm $0x7FFFFFFF  }
tec
execute0_lowered:
.L_overlay_start_1:
0x0: {  	(tag) =	ssettag $0x1  }
0x1: {  	s6 =	rddreg [dreg:$0x0]  }
0x2: {  	s1 =	srdreg.scid;
	s10 =	rddreg [dreg:$0x1]  }
0x3: {  	s0 =	stileid.u32;
	s2 =	rddreg [dreg:$0x2];
	s3 =	simm.s32 $0x0  }
0x4: {  	s15 =	simm.s32 $0x2;
	s16 =	simm.s32 $0x14000;
	s17 =	simm.s32 $0x16800  }
0x5: {  	s18 =	simm.s32 $0x80;
	s19 =	simm.s32 $0x1;
	s5 =	sand.u32 $0x1, s1  }
0x6: {  	s28 =	sshll.u32 s0, $0x1;
	s7 =	smul.u32 $0x2800, s0;
	[smem:$0x7FF] =	sst s3  }
0x7: {  	s9 =	smul.u32 $0x50000, s0;
	s4 =	sadd.s32 $0xF000, s6;
	s20 =	sshll.u32 s0, $0x6  }
0x8: {  	s1 =	sor.u32 s5, s28;
	s8 =	smul.u32 $0x28000, s5;
	s29 =	ssub.s32 $0x2, s5  }
0x9: {  	s20 =	sor.u32 $0x1C02, s20;
	s11 =	smul.u32 $0x500, s1;
	s1 =	rddreg [dreg:$0x3]  }
0xa: {  	_ =	strace $0x80000047;
	s30 =	sshrl.u32 s9, $0x2;
	s31 =	sshrl.u32 s29, $0x1  }
0xb: {  	s7 =	sadd.s32 s7, s8;
	s5 =	sadd.s32 s30, s2;
	s14 =	ssub.s32 s29, s31  }
0xc: {  	s12 =	sadd.s32 s11, s6;
	s13 =	sadd.s32 s7, s6;
	s6 =	sadd.s32 $0x4000, s5  }
0xd: {  	s7 =	sadd.s32 $0x8000, s5;
	s8 =	sadd.s32 $0xC000, s5;
	s9 =	sadd.s32 $0x10000, s5  }
0xe: {  	s10 =	sadd.s32 s10, s11;
	s21 =	sshrl.u32 s5, $0x3;
	s11 =	sadd.s32 $0x5000, s12  }
0xf: {  	v0 =	vimm.f32 $0.0e+00;
	s12 =	sadd.s32 $0x36200, s13;
	s13 =	smax.u32 s14, $0x1;
	s14 =	simm.s32 $0x19000  }
.LBB2_1:
0x10: {  	s22 =	simm.s32 $0x0;
	s23 =	simm.s32 $0x200  }
.LBB2_2:
0x11: {  	p0 =	sne.s32 s23, $0xFE00;
	[tilespmem:s22+$0x19070] =	vst v0  }
0x12: {  	[tilespmem:s22+$0x19000] =	vst v0  }
0x13: {  	[tilespmem:s22+$0x19010] =	vst v0  }
.Ltmp0:
0x14: {  	[tilespmem:s22+$0x19020] =	vst v0;
	(pc) =	sbr.rel @p0 .LBB2_2-.Ltmp0, $4  }
0x15: {  	[tilespmem:s22+$0x19030] =	vst v0  }
0x16: {  	[tilespmem:s22+$0x19040] =	vst v0  }
0x17: {  	[tilespmem:s22+$0x19050] =	vst v0  }
0x18: {  	[tilespmem:s22+$0x19060] =	vst v0;
	s22 =	sshra.s32 s23, $0x2;
	s23 =	sadd.s32 $0x200, s23  }
0x19: {  	[tilespmem:s22+$0x19070] =	vst v0  }
0x1a: {  	[tilespmem:s22+$0x19000] =	vst v0  }
0x1b: {  	[tilespmem:s22+$0x19010] =	vst v0  }
0x1c: {  	[tilespmem:s22+$0x19020] =	vst v0  }
0x1d: {  	[tilespmem:s22+$0x19030] =	vst v0  }
0x1e: {  	[tilespmem:s22+$0x19040] =	vst v0  }
0x1f: {  	[tilespmem:s22+$0x19050] =	vst v0  }
0x20: {  	[tilespmem:s22+$0x19060] =	vst v0  }
0x21: {  	[spmem:s5] =	stream.linear.scatter [tilespmem:s14], [sflag:$0x2], $0x4000, $0x38;
	[tilespmem:$0x1D000] =	vst v63  }
0x22: {  	_ =	swait.ge [sflag:s15], $0x4000  }
0x23: {  	[sflag:s15] =	ssyncset.done $0x0  }
0x24: {  	[sflag:s15] =	ssyncadd.s32 $0xFFFFC000  }
0x25: {  	[spmem:s6] =	stream.linear.scatter [tilespmem:s14], [sflag:$0x2], $0x4000, $0x38;
	[tilespmem:$0x1D000] =	vst v63  }
0x26: {  	_ =	swait.ge [sflag:s15], $0x4000  }
0x27: {  	[sflag:s15] =	ssyncset.done $0x0  }
0x28: {  	[sflag:s15] =	ssyncadd.s32 $0xFFFFC000  }
0x29: {  	[spmem:s7] =	stream.linear.scatter [tilespmem:s14], [sflag:$0x2], $0x4000, $0x38;
	[tilespmem:$0x1D000] =	vst v63  }
0x2a: {  	_ =	swait.ge [sflag:s15], $0x4000  }
0x2b: {  	[sflag:s15] =	ssyncset.done $0x0  }
0x2c: {  	[sflag:s15] =	ssyncadd.s32 $0xFFFFC000  }
0x2d: {  	[spmem:s8] =	stream.linear.scatter [tilespmem:s14], [sflag:$0x2], $0x4000, $0x38;
	[tilespmem:$0x1D000] =	vst v63  }
0x2e: {  	_ =	swait.ge [sflag:s15], $0x4000  }
0x2f: {  	[sflag:s15] =	ssyncset.done $0x0  }
0x30: {  	[sflag:s15] =	ssyncadd.s32 $0xFFFFC000  }
0x31: {  	[spmem:s9] =	stream.linear.scatter [tilespmem:s14], [sflag:$0x2], $0x4000, $0x38;
	[tilespmem:$0x1D000] =	vst v63  }
0x32: {  	_ =	swait.ge [sflag:s15], $0x4000  }
0x33: {  	[sflag:s15] =	ssyncset.done $0x0  }
0x34: {  	[sflag:s15] =	ssyncadd.s32 $0xFFFFC000  }
0x35: {  	s29 =	simm.s32 $0x0;
	[bflag:$0x0] =	sbarrier.arrive $0xFFFF  }
0x36: {  	[tilespmem:s16], [sflag:$0x2] =	stream.linear.gather [hbm4b:s10+s29], $0x2780, $0x38;
	[tilespmem:$0x1D000] =	vst v63  }
0x37: {  	_ =	swait.ge [sflag:s15], $0x2780  }
0x38: {  	[sflag:s15] =	ssyncset.done $0x0  }
0x39: {  	[sflag:s15] =	ssyncadd.s32 $0xFFFFD880  }
0x3a: {  	[tilespmem:s17], [sflag:$0x2] =	stream.linear.gather [hbm4b:s11+s29], $0x2780, $0x38;
	[tilespmem:$0x1D000] =	vst v63  }
0x3b: {  	_ =	swait.ge [sflag:s15], $0x2780  }
0x3c: {  	[sflag:s15] =	ssyncset.done $0x0  }
0x3d: {  	s30 =	simm.s32 $0x14000;
	[sflag:s15] =	ssyncadd.s32 $0xFFFFD880  }
0x3e: {  	[tilespmem:s14], [sflag:$0x1] =	stream.indirect.gather [hbm4b:s4+s18], $0x80, s30, s18, $0xb8;
	[tilespmem:$0x1D000] =	vst v63  }
0x3f: {  	_ =	swait.ge [sflag:s19], $0x4000  }
0x40: {  	[sflag:s19] =	ssyncset.done $0x0  }
0x41: {  	s31 =	simm.s32 $0x16800;
	[sflag:s19] =	ssyncadd.s32 $0xFFFFC000  }
0x42: {  	[spmem:s2] =	stream.indirect.scatter.add.f32 [tilespmem:s14], [sflag:$0x2], $0x80, s31, s18, $0xb8;
	[tilespmem:$0x1D000] =	vst v63  }
0x43: {  	_ =	swait.ge [sflag:s15], $0x4000  }
0x44: {  	s23 =	simm.s32 $0x400;
	s22 =	simm.s32 $0x80;
	[sflag:s15] =	ssyncset.done $0x0  }
.LBB2_4:
0x45: {  	s24 =	sadd.s32 $0x14000, s22  }
0x46: {  	[sflag:s15] =	ssyncadd.s32 $0xFFFFC000;
	s25 =	smov.u32 s23;
	s26 =	sadd.s32 $0x200, s23  }
0x47: {  	[tilespmem:s14], [sflag:$0x1] =	stream.indirect.gather [hbm4b:s4+s18], $0x80, s24, s18, $0xb8;
	[tilespmem:$0x1D000] =	vst v63  }
0x48: {  	p0 =	sne.s32 s23, $0x9C00;
	_ =	swait.ge [sflag:s19], $0x4000  }
.Ltmp1:
0x49: {  	[sflag:s19] =	ssyncset.done $0x0;
	(pc) =	sbr.rel @p0 .LBB2_4-.Ltmp1, $4  }
0x4a: {  	s22 =	sadd.s32 $0x16800, s22;
	[sflag:s19] =	ssyncadd.s32 $0xFFFFC000  }
0x4b: {  	[spmem:s2] =	stream.indirect.scatter.add.f32 [tilespmem:s14], [sflag:$0x2], $0x80, s22, s18, $0xb8;
	[tilespmem:$0x1D000] =	vst v63  }
0x4c: {  	_ =	swait.ge [sflag:s15], $0x4000  }
0x4d: {  	s23 =	smov.u32 s26;
	s22 =	sshra.s32 s25, $0x2;
	[sflag:s15] =	ssyncset.done $0x0  }
0x4e: {  	s23 =	sadd.s32 $0x14000, s22;
	[sflag:s15] =	ssyncadd.s32 $0xFFFFC000  }
0x4f: {  	[tilespmem:s14], [sflag:$0x1] =	stream.indirect.gather [hbm4b:s4+s18], $0x80, s23, s18, $0xb8;
	[tilespmem:$0x1D000] =	vst v63  }
0x50: {  	_ =	swait.ge [sflag:s19], $0x4000  }
0x51: {  	[sflag:s19] =	ssyncset.done $0x0  }
0x52: {  	s31 =	sadd.s32 $0x16800, s22;
	[sflag:s19] =	ssyncadd.s32 $0xFFFFC000  }
0x53: {  	[spmem:s2] =	stream.indirect.scatter.add.f32 [tilespmem:s14], [sflag:$0x2], $0x80, s31, s18, $0xb8;
	[tilespmem:$0x1D000] =	vst v63  }
0x54: {  	_ =	swait.ge [sflag:s15], $0x4000  }
0x55: {  	s3 =	sadd.s32 $0x1, s3;
	[sflag:s15] =	ssyncset.done $0x0  }
0x56: {  	p0 =	sne.s32 s3, s13;
	[sflag:s15] =	ssyncadd.s32 $0xFFFFC000  }
.Ltmp2:
0x57: {  	[bflag:$0x0] =	sbarrier.arrive $0xFFFF;
	(pc) =	sbr.rel @p0 .LBB2_1-.Ltmp2, $4  }
0x58: {  	[hbm:s12], [sflag:s20] =	dma.local [spmem:s21], $0x2800  }
0x59: {  	_ =	swait.ge [sflag:s15], $0x2800  }
0x5a: {  	[sflag:s15] =	ssyncset.done $0x0  }
0x5b: {  	[sflag:s15] =	ssyncadd.s32 $0xFFFFD800  }
0x5c: {  	_ =	sfence.sel $0x180000  }
0x5d: {  	[bflag:$0x0] =	sbarrier.arrive $0xFFFF  }
0x5e: {  	p0 =	sne.s32 s0, $0x0;
	_ =	strace $0x90000047  }
0x5f: {  	s0 =	sadd.s32 @!p0 $0x100000, s1;
	[bflag:$0x2] =	sbarrier.arrive $0xFFFF  }
0x60: {  	[sflag:s0] =	ssyncadd.tile.s32 @!p0 $0x1;
	_ =	shalt  }
.Lfunc_end2:
_tile_overlayer_lowered:
.L_overlay_start_2:
0x61: {  	(tag) =	ssettag $0x2  }
0x62: {  	s0 =	rddreg [dreg:$0x0];
	s2 =	stileid.u32  }
0x63: {  	s1 =	rddreg [dreg:$0x1];
	p0 =	sne.s32 s2, $0x0  }
0x64: {  	s3 =	rddreg [dreg:$0x2];
	[bflag:$0x3] =	sbarrier.arrive $0xFFFF;
	s2 =	simm.s32 @!p0 $0x1C02  }
0x65: {  	[timem:s3], [sflag:s2] =	dma.local @!p0 [hbm:s0], s1  }
0x66: {  	s0 =	simm.s32 @!p0 $0x2  }
0x67: {  	_ =	swait.ge @!p0 [sflag:s0], s1  }
0x68: {  	s1 =	ssub.s32 @!p0 $0x0, s1;
	[sflag:s0] =	ssyncset.done @!p0 $0x0  }
0x69: {  	[sflag:s0] =	ssyncadd.s32 @!p0 s1  }
0x6a: {  	[bflag:$0x3] =	sbarrier.arrive $0xFFFF  }
0x6b: {  	_ =	shalt  }

// kernel: kernel.13.cloned.1.call-start
scs
__scs_entry_jumppad:
0x0: {  	(pc) =	sbr.rel $0x88, $3  }
0x1: {  	(tag) =	ssettag $0x0;
	lr =	simm.s32 $0x1  }
0x2: {  	[smem:$0x3F84] =	sst lr;
	_ =	strace $0xD0000000  }
0x3: {  	_ = 	snop  }
0x4: {  	_ = 	snop  }
0x5: {  	_ = 	snop  }
0x6: {  	_ = 	snop  }
0x7: {  	_ = 	snop  }
__scs_overlays_trampoline_lowered:
0x8: {  	[smem:$0x3F93] =	sst s0  }
0x9: {  	[smem:$0x3F94] =	sst s1  }
0xa: {  	[smem:$0x3F95] =	sst s2  }
0xb: {  	[smem:$0x3F96] =	sst s3  }
0xc: {  	[smem:$0x3F97] =	sst s4  }
0xd: {  	[smem:$0x3F98] =	sst s5  }
0xe: {  	[smem:$0x3F99] =	sst s6  }
0xf: {  	[smem:$0x3F9A] =	sst s7  }
0x10: {  	[smem:$0x3F9B] =	sst s8  }
0x11: {  	[smem:$0x3F9C] =	sst s9;
	s0 =	simm.s32 @!p0 $0x0  }
0x12: {  	s1 =	sld [smem:$0x3F82];
	s0 =	simm.s32 @p0 $0x1  }
0x13: {  	[smem:$0x3F9D] =	sst s0;
	s0 =	simm.s32 @!p1 $0x0  }
0x14: {  	s2 =	sld [smem:$0x3F81];
	s0 =	simm.s32 @p1 $0x1  }
0x15: {  	[smem:$0x3F9E] =	sst s0;
	s0 =	simm.s32 @!p2 $0x0  }
0x16: {  	s3 =	sld [smem:$0x3FDB];
	s0 =	simm.s32 @p2 $0x1  }
0x17: {  	s4 =	simm.s32 $0x1BF5;
	[smem:$0x3FA0] =	sst s0  }
0x18: {  	s0 =	sld [smem:$0x3F83];
	_ =	swait.ge [sflag:s4], $0x0  }
0x19: {  	s7 =	sld [smem:$0x3F84]  }
0x1a: {  	s8 =	sadd.s32 $0xFFFFE003, lr  }
0x1b: {  	s9 =	sadd.s32 $0xFFFFFEF7, lr;
	s5 =	simm.s32 $0xFFFFFFFF;
	p2 =	slt.u32 s8, $0xFFFFF086  }
0x1c: {  	p1 =	slt.u32 s9, $0xF7A;
	s5 =	simm.s32 @!p2 $0x0  }
0x1d: {  	s5 =	simm.s32 @p1 $0x1;
	p0 =	seq.s32 s7, s2  }
0x1e: {  	s7 =	smul.u32 @!p0 $0xF7A, s2;
	p2 =	seq.s32 @!p0 s5, $0x0  }
0x1f: {  	s9 =	smul.u32 $0xF7A, s1;
	s8 =	simm.s32 @!p0 $0x1BF5;
	p2 =	por !p2, p0  }
0x20: {  	[sflag:s8] =	ssyncset.s32 @!p0 $0xFFFFF086;
	s6 =	sadd.s32 @!p0 s3, s7;
	s7 =	simm.s32 @!p0 $0x108  }
0x21: {  	s3 =	sadd.s32 s3, s9;
	s6 =	sadd.s32 @!p0 $0x88, s6;
	s7 =	simm.s32 @p2 $0x1082  }
0x22: {  	[simem:s7], [sflag:s8] =	dma.local @!p0 [hbm:s6], $0xF7A  }
0x23: {  	s9 =	sor.u32 $0xD0000000, s2;
	s6 =	simm.s32 $0x108;
	_ =	swait.ge @!p0 [sflag:s8], $0x0  }
0x24: {  	s3 =	sadd.s32 $0x88, s3;
	s6 =	simm.s32 @!p1 $0x1082;
	[sflag:s4] =	ssyncset.s32 $0xFFFFF086  }
0x25: {  	[simem:s6], [sflag:s4] =	dma.local [hbm:s3], $0xF7A  }
0x26: {  	[smem:$0x3F84] =	sst s1;
	(tag) =	ssettag s2;
	_ =	strace s9  }
0x27: {  	s1 =	sld [smem:$0x3F94]  }
0x28: {  	s2 =	sld [smem:$0x3F95]  }
0x29: {  	s4 =	sld [smem:$0x3F97]  }
0x2a: {  	p0 =	seq.s32 s5, $0x0;
	s5 =	sld [smem:$0x3F98]  }
0x2b: {  	s6 =	sld [smem:$0x3F99]  }
0x2c: {  	s7 =	sld [smem:$0x3F9A]  }
0x2d: {  	s3 =	simm.s32 $0x108;
	s8 =	sld [smem:$0x3F9B]  }
0x2e: {  	s3 =	simm.s32 @!p0 $0x1082;
	s9 =	sld [smem:$0x3F9C]  }
0x2f: {  	lr =	sadd.s32 s0, s3;
	s0 =	sld [smem:$0x3F93]  }
0x30: {  	s3 =	sld [smem:$0x3F96]  }
0x31: {  	[smem:$0x3F9F] =	sst s10  }
0x32: {  	s10 =	sld [smem:$0x3F9D];
	_ =	sdelay $0x3  }
0x33: {  	p0 =	seq.s32 s10, $0x1;
	s10 =	sld [smem:$0x3F9F];
	_ =	sdelay $0x3  }
0x34: {  	[smem:$0x3F9F] =	sst s10  }
0x35: {  	s10 =	sld [smem:$0x3F9E];
	_ =	sdelay $0x3  }
0x36: {  	p1 =	seq.s32 s10, $0x1;
	s10 =	sld [smem:$0x3F9F];
	_ =	sdelay $0x3  }
0x37: {  	[smem:$0x3F9F] =	sst s10  }
0x38: {  	s10 =	sld [smem:$0x3FA0]  }
0x39: {  	_ = 	snop;
	(pc) =	sbr.ind lr, $3  }
0x3a: {  	_ = 	snop  }
0x3b: {  	_ = 	snop  }
0x3c: {  	p2 =	seq.s32 s10, $0x1;
	s10 =	sld [smem:$0x3F9F]  }
0x3d: {  	_ =	shalt  }
0x3e: {  	_ =	shalt  }
0x3f: {  	_ =	shalt  }
0x40: {  	_ =	shalt  }
0x41: {  	_ =	shalt  }
0x42: {  	_ =	shalt  }
0x43: {  	_ =	shalt  }
0x44: {  	_ =	shalt  }
0x45: {  	_ =	shalt  }
0x46: {  	_ =	shalt  }
0x47: {  	_ =	shalt  }
0x48: {  	_ =	shalt  }
0x49: {  	_ =	shalt  }
0x4a: {  	_ =	shalt  }
0x4b: {  	_ =	shalt  }
0x4c: {  	_ =	shalt  }
0x4d: {  	_ =	shalt  }
0x4e: {  	_ =	shalt  }
0x4f: {  	_ =	shalt  }
0x50: {  	_ =	shalt  }
0x51: {  	_ =	shalt  }
0x52: {  	_ =	shalt  }
0x53: {  	_ =	shalt  }
0x54: {  	_ =	shalt  }
0x55: {  	_ =	shalt  }
0x56: {  	_ =	shalt  }
0x57: {  	_ =	shalt  }
0x58: {  	_ =	shalt  }
0x59: {  	_ =	shalt  }
0x5a: {  	_ =	shalt  }
0x5b: {  	_ =	shalt  }
0x5c: {  	_ =	shalt  }
0x5d: {  	_ =	shalt  }
0x5e: {  	_ =	shalt  }
0x5f: {  	_ =	shalt  }
0x60: {  	_ =	shalt  }
0x61: {  	_ =	shalt  }
0x62: {  	_ =	shalt  }
0x63: {  	_ =	shalt  }
0x64: {  	_ =	shalt  }
0x65: {  	_ =	shalt  }
0x66: {  	_ =	shalt  }
0x67: {  	_ =	shalt  }
0x68: {  	_ =	shalt  }
0x69: {  	_ =	shalt  }
0x6a: {  	_ =	shalt  }
0x6b: {  	_ =	shalt  }
0x6c: {  	_ =	shalt  }
0x6d: {  	_ =	shalt  }
0x6e: {  	_ =	shalt  }
0x6f: {  	_ =	shalt  }
0x70: {  	_ =	shalt  }
0x71: {  	_ =	shalt  }
0x72: {  	_ =	shalt  }
0x73: {  	_ =	shalt  }
0x74: {  	_ =	shalt  }
0x75: {  	_ =	shalt  }
0x76: {  	_ =	shalt  }
0x77: {  	_ =	shalt  }
0x78: {  	_ =	shalt  }
0x79: {  	_ =	shalt  }
0x7a: {  	_ =	shalt  }
0x7b: {  	_ =	shalt  }
0x7c: {  	_ =	shalt  }
0x7d: {  	_ =	shalt  }
0x7e: {  	_ =	shalt  }
0x7f: {  	_ =	shalt  }
0x80: {  	_ =	shalt  }
0x81: {  	_ =	shalt  }
0x82: {  	_ =	shalt  }
0x83: {  	_ =	shalt  }
0x84: {  	_ =	shalt  }
0x85: {  	_ =	shalt  }
0x86: {  	_ =	shalt  }
0x87: {  	_ =	shalt  }
.Lfunc_end0:
.L_simem_size_0:
called_computation.1_lowered:
.L_overlay_start_0:
0x88: {  	s2 =	sld [smem:$0x3FD9]  }
0x89: {  	s3 =	sld [smem:$0x3FFE];
	_ =	sdelay $0x1  }
0x8a: {  	s1 =	srdreg.scid  }
0x8b: {  	s0 =	sand.u32 $0x1, s1  }
0x8c: {  	s17 =	sshll.u32 s0, $0xA;
	s2 =	sadd.s32 s3, s2  }
0x8d: {  	s2 =	sadd.s32 s2, s17  }
0x8e: {  	[smem:$0x3FAB] =	sst s2  }
0x8f: {  	_ = 	snop  }
0x90: {  	s2 =	sld [smem:$0x3FD0];
	(tm) =	ssettm $0x1  }
0x91: {  	s18 =	sld [smem:$0x3FFB];
	_ =	sdelay $0x3  }
0x92: {  	_ =	strace s18  }
0x93: {  	s3 =	sld [smem:$0x3FFC];
	_ =	sdelay $0x3  }
0x94: {  	_ =	strace s3  }
0x95: {  	s3 =	sld [smem:$0x3FFD];
	_ =	sdelay $0x3  }
0x96: {  	_ =	strace s3  }
0x97: {  	_ =	strace $0x8FFFFFFF  }
0x98: {  	s19 =	sld [smem:$0x3FDB];
	_ =	sdelay $0x1  }
0x99: {  	s4 =	simm.s32 $_scs_section_size  }
0x9a: {  	s5 =	simm.s32 $_size__tile_overlayer_lowered;
	s6 =	simm.s32 $_tile_overlayer_lowered  }
0x9b: {  	s22 =	simm.s32 $0x1BFF;
	s21 =	sshll.u32 s6, $0x1;
	s3 =	sadd.s32 s4, s19  }
0x9c: {  	s7 =	simm.s32 $0x0;
	s20 =	sshll.u32 s5, $0x1;
	s5 =	sadd.s32 s21, s3  }
0x9d: {  	[timem:s7], [sflag:s22] =	dma.local [hbm:s5], s20  }
0x9e: {  	_ =	swait.ge [sflag:s22], s20  }
0x9f: {  	s4 =	ssub.s32 $0x0, s20;
	[sflag:s22] =	ssyncset.done $0x0  }
0xa0: {  	[sflag:s22] =	ssyncadd.s32 s4;
	_ =	sdelay $0x1  }
0xa1: {  	s23 =	simm.s32 $0x1B8B  }
0xa2: {  	_ =	swait.ge [sflag:s23], $0x1  }
0xa3: {  	[sflag:s23] =	ssyncset.done $0x0  }
0xa4: {  	s25 =	simm.s32 $0x1B8E;
	s24 =	sld [smem:$0x3FFE];
	[sflag:s23] =	ssyncadd.s32 $0xFFFFFFFF  }
0xa5: {  	s26 =	simm.s32 $execute0_lowered;
	[smem:$0x3FD2] =	sst s25  }
0xa6: {  	s5 =	sshll.u32 s26, $0x1;
	_ =	strace $0x80000049;
	[dreg:$0x1] =	wrdreg $0xFFFFFFFF  }
0xa7: {  	s28 =	simm.s32 $_size_execute0_lowered;
	s3 =	sadd.s32 s3, s5;
	[dreg:$0x0] =	wrdreg $0x0  }
0xa8: {  	s5 =	sshll.u32 s28, $0x1;
	[dreg:$0x2] =	wrdreg s3  }
0xa9: {  	[dreg:$0x3] =	wrdreg s5  }
0xaa: {  	[dreg:$0x4] =	wrdreg $0xC0  }
0xab: {  	_ =	task [dreg:s7], $0x5FFFF  }
0xac: {  	[dreg:$0x1] =	wrdreg $0xFFFFFFFF  }
0xad: {  	[dreg:$0x0] =	wrdreg $0x60  }
0xae: {  	[dreg:$0x2] =	wrdreg s24  }
0xaf: {  	[dreg:$0x3] =	wrdreg s2  }
0xb0: {  	[dreg:$0x4] =	wrdreg $0x0  }
0xb1: {  	[dreg:$0x5] =	wrdreg $0x9  }
0xb2: {  	_ =	task.clear_ibuf [dreg:s7], $0x6FFFF;
	_ =	strace $0x90000049  }
0xb3: {  	s29 =	simm.s32 $0x9;
	_ =	strace $0x8000004B  }
0xb4: {  	_ =	swait.ge [sflag:s29], $0x1  }
0xb5: {  	[sflag:s29] =	ssyncadd.s32 $0xFFFFFFFF  }
0xb6: {  	_ =	strace $0x9000004B  }
0xb7: {  	_ =	sfence  }
0xb8: {  	s30 =	sld [smem:$0x0];
	_ =	sdelay $0x2  }
0xb9: {  	s31 =	sshll.u32 s1, $0xD;
	s1 =	sshrl.u32 s1, $0x2  }
0xba: {  	s3 =	sand.u32 $0x4000, s31;
	s1 =	sadd.s32 s1, s30  }
0xbb: {  	s0 =	sor.u32 s3, s0;
	s1 =	sshll.u32 s1, $0x11  }
0xbc: {  	s0 =	sor.u32 s1, s0  }
0xbd: {  	s0 =	sadd.s32 $0x8F2B, s0  }
0xbe: {  	[sflag:s0] =	ssyncadd.remote.s32 $0x1  }
0xbf: {  	_ =	sfence.sel $0xFFFF  }
0xc0: {  	[dreg:$0x0] =	wrdreg $0xFFFFFFFF;
	(pc) =	sbr.abs _section_cstart, $3  }
0xc1: {  	[dreg:$0x1] =	wrdreg $0xFFFFFFFF  }
0xc2: {  	_ =	task.clear_ibuf [dreg:s7], $0x2FFFF;
	_ =	strace $0x9FFFFFFF  }
0xc3: {  	(tm) =	ssettm $0x7FFFFFFF  }
tec
execute0_lowered:
.L_overlay_start_1:
0x0: {  	(tag) =	ssettag $0x1  }
0x1: {  	s6 =	rddreg [dreg:$0x0]  }
0x2: {  	s1 =	srdreg.scid;
	s10 =	rddreg [dreg:$0x1]  }
0x3: {  	s0 =	stileid.u32;
	s2 =	rddreg [dreg:$0x2];
	s3 =	simm.s32 $0x0  }
0x4: {  	s15 =	simm.s32 $0x2;
	s16 =	simm.s32 $0x14000;
	s17 =	simm.s32 $0x16800  }
0x5: {  	s18 =	simm.s32 $0x80;
	s19 =	simm.s32 $0x1;
	s5 =	sand.u32 $0x1, s1  }
0x6: {  	s28 =	sshll.u32 s0, $0x1;
	s7 =	smul.u32 $0x2800, s0;
	[smem:$0x7FF] =	sst s3  }
0x7: {  	s9 =	smul.u32 $0x50000, s0;
	s4 =	sadd.s32 $0xF000, s6;
	s20 =	sshll.u32 s0, $0x6  }
0x8: {  	s1 =	sor.u32 s5, s28;
	s8 =	smul.u32 $0x28000, s5;
	s29 =	ssub.s32 $0x2, s5  }
0x9: {  	s20 =	sor.u32 $0x1C02, s20;
	s11 =	smul.u32 $0x500, s1;
	s1 =	rddreg [dreg:$0x3]  }
0xa: {  	_ =	strace $0x8000004A;
	s30 =	sshrl.u32 s9, $0x2;
	s31 =	sshrl.u32 s29, $0x1  }
0xb: {  	s7 =	sadd.s32 s7, s8;
	s5 =	sadd.s32 s30, s2;
	s14 =	ssub.s32 s29, s31  }
0xc: {  	s12 =	sadd.s32 s11, s6;
	s13 =	sadd.s32 s7, s6;
	s6 =	sadd.s32 $0x4000, s5  }
0xd: {  	s7 =	sadd.s32 $0x8000, s5;
	s8 =	sadd.s32 $0xC000, s5;
	s9 =	sadd.s32 $0x10000, s5  }
0xe: {  	s10 =	sadd.s32 s10, s11;
	s21 =	sshrl.u32 s5, $0x3;
	s11 =	sadd.s32 $0x5000, s12  }
0xf: {  	v0 =	vimm.f32 $0.0e+00;
	s12 =	sadd.s32 $0x36200, s13;
	s13 =	smax.u32 s14, $0x1;
	s14 =	simm.s32 $0x19000  }
.LBB2_1:
0x10: {  	s22 =	simm.s32 $0x0;
	s23 =	simm.s32 $0x200  }
.LBB2_2:
0x11: {  	p0 =	sne.s32 s23, $0xFE00;
	[tilespmem:s22+$0x19070] =	vst v0  }
0x12: {  	[tilespmem:s22+$0x19000] =	vst v0  }
0x13: {  	[tilespmem:s22+$0x19010] =	vst v0  }
.Ltmp0:
0x14: {  	[tilespmem:s22+$0x19020] =	vst v0;
	(pc) =	sbr.rel @p0 .LBB2_2-.Ltmp0, $4  }
0x15: {  	[tilespmem:s22+$0x19030] =	vst v0  }
0x16: {  	[tilespmem:s22+$0x19040] =	vst v0  }
0x17: {  	[tilespmem:s22+$0x19050] =	vst v0  }
0x18: {  	[tilespmem:s22+$0x19060] =	vst v0;
	s22 =	sshra.s32 s23, $0x2;
	s23 =	sadd.s32 $0x200, s23  }
0x19: {  	[tilespmem:s22+$0x19070] =	vst v0  }
0x1a: {  	[tilespmem:s22+$0x19000] =	vst v0  }
0x1b: {  	[tilespmem:s22+$0x19010] =	vst v0  }
0x1c: {  	[tilespmem:s22+$0x19020] =	vst v0  }
0x1d: {  	[tilespmem:s22+$0x19030] =	vst v0  }
0x1e: {  	[tilespmem:s22+$0x19040] =	vst v0  }
0x1f: {  	[tilespmem:s22+$0x19050] =	vst v0  }
0x20: {  	[tilespmem:s22+$0x19060] =	vst v0  }
0x21: {  	[spmem:s5] =	stream.linear.scatter [tilespmem:s14], [sflag:$0x2], $0x4000, $0x38;
	[tilespmem:$0x1D000] =	vst v63  }
0x22: {  	_ =	swait.ge [sflag:s15], $0x4000  }
0x23: {  	[sflag:s15] =	ssyncset.done $0x0  }
0x24: {  	[sflag:s15] =	ssyncadd.s32 $0xFFFFC000  }
0x25: {  	[spmem:s6] =	stream.linear.scatter [tilespmem:s14], [sflag:$0x2], $0x4000, $0x38;
	[tilespmem:$0x1D000] =	vst v63  }
0x26: {  	_ =	swait.ge [sflag:s15], $0x4000  }
0x27: {  	[sflag:s15] =	ssyncset.done $0x0  }
0x28: {  	[sflag:s15] =	ssyncadd.s32 $0xFFFFC000  }
0x29: {  	[spmem:s7] =	stream.linear.scatter [tilespmem:s14], [sflag:$0x2], $0x4000, $0x38;
	[tilespmem:$0x1D000] =	vst v63  }
0x2a: {  	_ =	swait.ge [sflag:s15], $0x4000  }
0x2b: {  	[sflag:s15] =	ssyncset.done $0x0  }
0x2c: {  	[sflag:s15] =	ssyncadd.s32 $0xFFFFC000  }
0x2d: {  	[spmem:s8] =	stream.linear.scatter [tilespmem:s14], [sflag:$0x2], $0x4000, $0x38;
	[tilespmem:$0x1D000] =	vst v63  }
0x2e: {  	_ =	swait.ge [sflag:s15], $0x4000  }
0x2f: {  	[sflag:s15] =	ssyncset.done $0x0  }
0x30: {  	[sflag:s15] =	ssyncadd.s32 $0xFFFFC000  }
0x31: {  	[spmem:s9] =	stream.linear.scatter [tilespmem:s14], [sflag:$0x2], $0x4000, $0x38;
	[tilespmem:$0x1D000] =	vst v63  }
0x32: {  	_ =	swait.ge [sflag:s15], $0x4000  }
0x33: {  	[sflag:s15] =	ssyncset.done $0x0  }
0x34: {  	[sflag:s15] =	ssyncadd.s32 $0xFFFFC000  }
0x35: {  	s29 =	simm.s32 $0x0;
	[bflag:$0x0] =	sbarrier.arrive $0xFFFF  }
0x36: {  	[tilespmem:s16], [sflag:$0x2] =	stream.linear.gather [hbm4b:s10+s29], $0x2780, $0x38;
	[tilespmem:$0x1D000] =	vst v63  }
0x37: {  	_ =	swait.ge [sflag:s15], $0x2780  }
0x38: {  	[sflag:s15] =	ssyncset.done $0x0  }
0x39: {  	[sflag:s15] =	ssyncadd.s32 $0xFFFFD880  }
0x3a: {  	[tilespmem:s17], [sflag:$0x2] =	stream.linear.gather [hbm4b:s11+s29], $0x2780, $0x38;
	[tilespmem:$0x1D000] =	vst v63  }
0x3b: {  	_ =	swait.ge [sflag:s15], $0x2780  }
0x3c: {  	[sflag:s15] =	ssyncset.done $0x0  }
0x3d: {  	s30 =	simm.s32 $0x14000;
	[sflag:s15] =	ssyncadd.s32 $0xFFFFD880  }
0x3e: {  	[tilespmem:s14], [sflag:$0x1] =	stream.indirect.gather [hbm4b:s4+s18], $0x80, s30, s18, $0xb8;
	[tilespmem:$0x1D000] =	vst v63  }
0x3f: {  	_ =	swait.ge [sflag:s19], $0x4000  }
0x40: {  	[sflag:s19] =	ssyncset.done $0x0  }
0x41: {  	s31 =	simm.s32 $0x16800;
	[sflag:s19] =	ssyncadd.s32 $0xFFFFC000  }
0x42: {  	[spmem:s2] =	stream.indirect.scatter.add.f32 [tilespmem:s14], [sflag:$0x2], $0x80, s31, s18, $0xb8;
	[tilespmem:$0x1D000] =	vst v63  }
0x43: {  	_ =	swait.ge [sflag:s15], $0x4000  }
0x44: {  	s23 =	simm.s32 $0x400;
	s22 =	simm.s32 $0x80;
	[sflag:s15] =	ssyncset.done $0x0  }
.LBB2_4:
0x45: {  	s24 =	sadd.s32 $0x14000, s22  }
0x46: {  	[sflag:s15] =	ssyncadd.s32 $0xFFFFC000;
	s25 =	smov.u32 s23;
	s26 =	sadd.s32 $0x200, s23  }
0x47: {  	[tilespmem:s14], [sflag:$0x1] =	stream.indirect.gather [hbm4b:s4+s18], $0x80, s24, s18, $0xb8;
	[tilespmem:$0x1D000] =	vst v63  }
0x48: {  	p0 =	sne.s32 s23, $0x9C00;
	_ =	swait.ge [sflag:s19], $0x4000  }
.Ltmp1:
0x49: {  	[sflag:s19] =	ssyncset.done $0x0;
	(pc) =	sbr.rel @p0 .LBB2_4-.Ltmp1, $4  }
0x4a: {  	s22 =	sadd.s32 $0x16800, s22;
	[sflag:s19] =	ssyncadd.s32 $0xFFFFC000  }
0x4b: {  	[spmem:s2] =	stream.indirect.scatter.add.f32 [tilespmem:s14], [sflag:$0x2], $0x80, s22, s18, $0xb8;
	[tilespmem:$0x1D000] =	vst v63  }
0x4c: {  	_ =	swait.ge [sflag:s15], $0x4000  }
0x4d: {  	s23 =	smov.u32 s26;
	s22 =	sshra.s32 s25, $0x2;
	[sflag:s15] =	ssyncset.done $0x0  }
0x4e: {  	s23 =	sadd.s32 $0x14000, s22;
	[sflag:s15] =	ssyncadd.s32 $0xFFFFC000  }
0x4f: {  	[tilespmem:s14], [sflag:$0x1] =	stream.indirect.gather [hbm4b:s4+s18], $0x80, s23, s18, $0xb8;
	[tilespmem:$0x1D000] =	vst v63  }
0x50: {  	_ =	swait.ge [sflag:s19], $0x4000  }
0x51: {  	[sflag:s19] =	ssyncset.done $0x0  }
0x52: {  	s31 =	sadd.s32 $0x16800, s22;
	[sflag:s19] =	ssyncadd.s32 $0xFFFFC000  }
0x53: {  	[spmem:s2] =	stream.indirect.scatter.add.f32 [tilespmem:s14], [sflag:$0x2], $0x80, s31, s18, $0xb8;
	[tilespmem:$0x1D000] =	vst v63  }
0x54: {  	_ =	swait.ge [sflag:s15], $0x4000  }
0x55: {  	s3 =	sadd.s32 $0x1, s3;
	[sflag:s15] =	ssyncset.done $0x0  }
0x56: {  	p0 =	sne.s32 s3, s13;
	[sflag:s15] =	ssyncadd.s32 $0xFFFFC000  }
.Ltmp2:
0x57: {  	[bflag:$0x0] =	sbarrier.arrive $0xFFFF;
	(pc) =	sbr.rel @p0 .LBB2_1-.Ltmp2, $4  }
0x58: {  	[hbm:s12], [sflag:s20] =	dma.local [spmem:s21], $0x2800  }
0x59: {  	_ =	swait.ge [sflag:s15], $0x2800  }
0x5a: {  	[sflag:s15] =	ssyncset.done $0x0  }
0x5b: {  	[sflag:s15] =	ssyncadd.s32 $0xFFFFD800  }
0x5c: {  	_ =	sfence.sel $0x180000  }
0x5d: {  	[bflag:$0x0] =	sbarrier.arrive $0xFFFF  }
0x5e: {  	p0 =	sne.s32 s0, $0x0;
	_ =	strace $0x9000004A  }
0x5f: {  	s0 =	sadd.s32 @!p0 $0x100000, s1;
	[bflag:$0x2] =	sbarrier.arrive $0xFFFF  }
0x60: {  	[sflag:s0] =	ssyncadd.tile.s32 @!p0 $0x1;
	_ =	shalt  }
.Lfunc_end2:
_tile_overlayer_lowered:
.L_overlay_start_2:
0x61: {  	(tag) =	ssettag $0x2  }
0x62: {  	s0 =	rddreg [dreg:$0x0];
	s2 =	stileid.u32  }
0x63: {  	s1 =	rddreg [dreg:$0x1];
	p0 =	sne.s32 s2, $0x0  }
0x64: {  	s3 =	rddreg [dreg:$0x2];
	[bflag:$0x3] =	sbarrier.arrive $0xFFFF;
	s2 =	simm.s32 @!p0 $0x1C02  }
0x65: {  	[timem:s3], [sflag:s2] =	dma.local @!p0 [hbm:s0], s1  }
0x66: {  	s0 =	simm.s32 @!p0 $0x2  }
0x67: {  	_ =	swait.ge @!p0 [sflag:s0], s1  }
0x68: {  	s1 =	ssub.s32 @!p0 $0x0, s1;
	[sflag:s0] =	ssyncset.done @!p0 $0x0  }
0x69: {  	[sflag:s0] =	ssyncadd.s32 @!p0 s1  }
0x6a: {  	[bflag:$0x3] =	sbarrier.arrive $0xFFFF  }
0x6b: {  	_ =	shalt  }

// kernel: kernel.16.cloned.1.call-start
scs
__scs_entry_jumppad:
0x0: {  	(pc) =	sbr.rel $0x88, $3  }
0x1: {  	(tag) =	ssettag $0x0;
	lr =	simm.s32 $0x1  }
0x2: {  	[smem:$0x3F84] =	sst lr;
	_ =	strace $0xD0000000  }
0x3: {  	_ = 	snop  }
0x4: {  	_ = 	snop  }
0x5: {  	_ = 	snop  }
0x6: {  	_ = 	snop  }
0x7: {  	_ = 	snop  }
__scs_overlays_trampoline_lowered:
0x8: {  	[smem:$0x3F93] =	sst s0  }
0x9: {  	[smem:$0x3F94] =	sst s1  }
0xa: {  	[smem:$0x3F95] =	sst s2  }
0xb: {  	[smem:$0x3F96] =	sst s3  }
0xc: {  	[smem:$0x3F97] =	sst s4  }
0xd: {  	[smem:$0x3F98] =	sst s5  }
0xe: {  	[smem:$0x3F99] =	sst s6  }
0xf: {  	[smem:$0x3F9A] =	sst s7  }
0x10: {  	[smem:$0x3F9B] =	sst s8  }
0x11: {  	[smem:$0x3F9C] =	sst s9;
	s0 =	simm.s32 @!p0 $0x0  }
0x12: {  	s1 =	sld [smem:$0x3F82];
	s0 =	simm.s32 @p0 $0x1  }
0x13: {  	[smem:$0x3F9D] =	sst s0;
	s0 =	simm.s32 @!p1 $0x0  }
0x14: {  	s2 =	sld [smem:$0x3F81];
	s0 =	simm.s32 @p1 $0x1  }
0x15: {  	[smem:$0x3F9E] =	sst s0;
	s0 =	simm.s32 @!p2 $0x0  }
0x16: {  	s3 =	sld [smem:$0x3FDB];
	s0 =	simm.s32 @p2 $0x1  }
0x17: {  	s4 =	simm.s32 $0x1BF5;
	[smem:$0x3FA0] =	sst s0  }
0x18: {  	s0 =	sld [smem:$0x3F83];
	_ =	swait.ge [sflag:s4], $0x0  }
0x19: {  	s7 =	sld [smem:$0x3F84]  }
0x1a: {  	s8 =	sadd.s32 $0xFFFFE003, lr  }
0x1b: {  	s9 =	sadd.s32 $0xFFFFFEF7, lr;
	s5 =	simm.s32 $0xFFFFFFFF;
	p2 =	slt.u32 s8, $0xFFFFF086  }
0x1c: {  	p1 =	slt.u32 s9, $0xF7A;
	s5 =	simm.s32 @!p2 $0x0  }
0x1d: {  	s5 =	simm.s32 @p1 $0x1;
	p0 =	seq.s32 s7, s2  }
0x1e: {  	s7 =	smul.u32 @!p0 $0xF7A, s2;
	p2 =	seq.s32 @!p0 s5, $0x0  }
0x1f: {  	s9 =	smul.u32 $0xF7A, s1;
	s8 =	simm.s32 @!p0 $0x1BF5;
	p2 =	por !p2, p0  }
0x20: {  	[sflag:s8] =	ssyncset.s32 @!p0 $0xFFFFF086;
	s6 =	sadd.s32 @!p0 s3, s7;
	s7 =	simm.s32 @!p0 $0x108  }
0x21: {  	s3 =	sadd.s32 s3, s9;
	s6 =	sadd.s32 @!p0 $0x88, s6;
	s7 =	simm.s32 @p2 $0x1082  }
0x22: {  	[simem:s7], [sflag:s8] =	dma.local @!p0 [hbm:s6], $0xF7A  }
0x23: {  	s9 =	sor.u32 $0xD0000000, s2;
	s6 =	simm.s32 $0x108;
	_ =	swait.ge @!p0 [sflag:s8], $0x0  }
0x24: {  	s3 =	sadd.s32 $0x88, s3;
	s6 =	simm.s32 @!p1 $0x1082;
	[sflag:s4] =	ssyncset.s32 $0xFFFFF086  }
0x25: {  	[simem:s6], [sflag:s4] =	dma.local [hbm:s3], $0xF7A  }
0x26: {  	[smem:$0x3F84] =	sst s1;
	(tag) =	ssettag s2;
	_ =	strace s9  }
0x27: {  	s1 =	sld [smem:$0x3F94]  }
0x28: {  	s2 =	sld [smem:$0x3F95]  }
0x29: {  	s4 =	sld [smem:$0x3F97]  }
0x2a: {  	p0 =	seq.s32 s5, $0x0;
	s5 =	sld [smem:$0x3F98]  }
0x2b: {  	s6 =	sld [smem:$0x3F99]  }
0x2c: {  	s7 =	sld [smem:$0x3F9A]  }
0x2d: {  	s3 =	simm.s32 $0x108;
	s8 =	sld [smem:$0x3F9B]  }
0x2e: {  	s3 =	simm.s32 @!p0 $0x1082;
	s9 =	sld [smem:$0x3F9C]  }
0x2f: {  	lr =	sadd.s32 s0, s3;
	s0 =	sld [smem:$0x3F93]  }
0x30: {  	s3 =	sld [smem:$0x3F96]  }
0x31: {  	[smem:$0x3F9F] =	sst s10  }
0x32: {  	s10 =	sld [smem:$0x3F9D];
	_ =	sdelay $0x3  }
0x33: {  	p0 =	seq.s32 s10, $0x1;
	s10 =	sld [smem:$0x3F9F];
	_ =	sdelay $0x3  }
0x34: {  	[smem:$0x3F9F] =	sst s10  }
0x35: {  	s10 =	sld [smem:$0x3F9E];
	_ =	sdelay $0x3  }
0x36: {  	p1 =	seq.s32 s10, $0x1;
	s10 =	sld [smem:$0x3F9F];
	_ =	sdelay $0x3  }
0x37: {  	[smem:$0x3F9F] =	sst s10  }
0x38: {  	s10 =	sld [smem:$0x3FA0]  }
0x39: {  	_ = 	snop;
	(pc) =	sbr.ind lr, $3  }
0x3a: {  	_ = 	snop  }
0x3b: {  	_ = 	snop  }
0x3c: {  	p2 =	seq.s32 s10, $0x1;
	s10 =	sld [smem:$0x3F9F]  }
0x3d: {  	_ =	shalt  }
0x3e: {  	_ =	shalt  }
0x3f: {  	_ =	shalt  }
0x40: {  	_ =	shalt  }
0x41: {  	_ =	shalt  }
0x42: {  	_ =	shalt  }
0x43: {  	_ =	shalt  }
0x44: {  	_ =	shalt  }
0x45: {  	_ =	shalt  }
0x46: {  	_ =	shalt  }
0x47: {  	_ =	shalt  }
0x48: {  	_ =	shalt  }
0x49: {  	_ =	shalt  }
0x4a: {  	_ =	shalt  }
0x4b: {  	_ =	shalt  }
0x4c: {  	_ =	shalt  }
0x4d: {  	_ =	shalt  }
0x4e: {  	_ =	shalt  }
0x4f: {  	_ =	shalt  }
0x50: {  	_ =	shalt  }
0x51: {  	_ =	shalt  }
0x52: {  	_ =	shalt  }
0x53: {  	_ =	shalt  }
0x54: {  	_ =	shalt  }
0x55: {  	_ =	shalt  }
0x56: {  	_ =	shalt  }
0x57: {  	_ =	shalt  }
0x58: {  	_ =	shalt  }
0x59: {  	_ =	shalt  }
0x5a: {  	_ =	shalt  }
0x5b: {  	_ =	shalt  }
0x5c: {  	_ =	shalt  }
0x5d: {  	_ =	shalt  }
0x5e: {  	_ =	shalt  }
0x5f: {  	_ =	shalt  }
0x60: {  	_ =	shalt  }
0x61: {  	_ =	shalt  }
0x62: {  	_ =	shalt  }
0x63: {  	_ =	shalt  }
0x64: {  	_ =	shalt  }
0x65: {  	_ =	shalt  }
0x66: {  	_ =	shalt  }
0x67: {  	_ =	shalt  }
0x68: {  	_ =	shalt  }
0x69: {  	_ =	shalt  }
0x6a: {  	_ =	shalt  }
0x6b: {  	_ =	shalt  }
0x6c: {  	_ =	shalt  }
0x6d: {  	_ =	shalt  }
0x6e: {  	_ =	shalt  }
0x6f: {  	_ =	shalt  }
0x70: {  	_ =	shalt  }
0x71: {  	_ =	shalt  }
0x72: {  	_ =	shalt  }
0x73: {  	_ =	shalt  }
0x74: {  	_ =	shalt  }
0x75: {  	_ =	shalt  }
0x76: {  	_ =	shalt  }
0x77: {  	_ =	shalt  }
0x78: {  	_ =	shalt  }
0x79: {  	_ =	shalt  }
0x7a: {  	_ =	shalt  }
0x7b: {  	_ =	shalt  }
0x7c: {  	_ =	shalt  }
0x7d: {  	_ =	shalt  }
0x7e: {  	_ =	shalt  }
0x7f: {  	_ =	shalt  }
0x80: {  	_ =	shalt  }
0x81: {  	_ =	shalt  }
0x82: {  	_ =	shalt  }
0x83: {  	_ =	shalt  }
0x84: {  	_ =	shalt  }
0x85: {  	_ =	shalt  }
0x86: {  	_ =	shalt  }
0x87: {  	_ =	shalt  }
.Lfunc_end0:
.L_simem_size_0:
called_computation.2_lowered:
.L_overlay_start_0:
0x88: {  	s2 =	sld [smem:$0x3FD9]  }
0x89: {  	s3 =	sld [smem:$0x3FFE];
	_ =	sdelay $0x1  }
0x8a: {  	s1 =	srdreg.scid  }
0x8b: {  	s0 =	sand.u32 $0x1, s1  }
0x8c: {  	s17 =	sshll.u32 s0, $0xA;
	s2 =	sadd.s32 s3, s2  }
0x8d: {  	s2 =	sadd.s32 s2, s17  }
0x8e: {  	[smem:$0x3FAB] =	sst s2  }
0x8f: {  	_ = 	snop  }
0x90: {  	s2 =	sld [smem:$0x3FD0];
	(tm) =	ssettm $0x1  }
0x91: {  	s18 =	sld [smem:$0x3FFB];
	_ =	sdelay $0x3  }
0x92: {  	_ =	strace s18  }
0x93: {  	s3 =	sld [smem:$0x3FFC];
	_ =	sdelay $0x3  }
0x94: {  	_ =	strace s3  }
0x95: {  	s3 =	sld [smem:$0x3FFD];
	_ =	sdelay $0x3  }
0x96: {  	_ =	strace s3  }
0x97: {  	_ =	strace $0x8FFFFFFF  }
0x98: {  	s19 =	sld [smem:$0x3FDB];
	_ =	sdelay $0x1  }
0x99: {  	s4 =	simm.s32 $_scs_section_size  }
0x9a: {  	s5 =	simm.s32 $_size__tile_overlayer_lowered;
	s6 =	simm.s32 $_tile_overlayer_lowered  }
0x9b: {  	s22 =	simm.s32 $0x1BFF;
	s21 =	sshll.u32 s6, $0x1;
	s3 =	sadd.s32 s4, s19  }
0x9c: {  	s7 =	simm.s32 $0x0;
	s20 =	sshll.u32 s5, $0x1;
	s5 =	sadd.s32 s21, s3  }
0x9d: {  	[timem:s7], [sflag:s22] =	dma.local [hbm:s5], s20  }
0x9e: {  	_ =	swait.ge [sflag:s22], s20  }
0x9f: {  	s4 =	ssub.s32 $0x0, s20;
	[sflag:s22] =	ssyncset.done $0x0  }
0xa0: {  	[sflag:s22] =	ssyncadd.s32 s4;
	_ =	sdelay $0x1  }
0xa1: {  	s23 =	simm.s32 $0x1B8B  }
0xa2: {  	_ =	swait.ge [sflag:s23], $0x1  }
0xa3: {  	[sflag:s23] =	ssyncset.done $0x0  }
0xa4: {  	s25 =	simm.s32 $0x1B8E;
	s24 =	sld [smem:$0x3FFE];
	[sflag:s23] =	ssyncadd.s32 $0xFFFFFFFF  }
0xa5: {  	s26 =	simm.s32 $execute0_lowered;
	[smem:$0x3FD2] =	sst s25  }
0xa6: {  	s5 =	sshll.u32 s26, $0x1;
	_ =	strace $0x8000004C;
	[dreg:$0x1] =	wrdreg $0xFFFFFFFF  }
0xa7: {  	s28 =	simm.s32 $_size_execute0_lowered;
	s3 =	sadd.s32 s3, s5;
	[dreg:$0x0] =	wrdreg $0x0  }
0xa8: {  	s5 =	sshll.u32 s28, $0x1;
	[dreg:$0x2] =	wrdreg s3  }
0xa9: {  	[dreg:$0x3] =	wrdreg s5  }
0xaa: {  	[dreg:$0x4] =	wrdreg $0xC0  }
0xab: {  	_ =	task [dreg:s7], $0x5FFFF  }
0xac: {  	[dreg:$0x1] =	wrdreg $0xFFFFFFFF  }
0xad: {  	[dreg:$0x0] =	wrdreg $0x60  }
0xae: {  	[dreg:$0x2] =	wrdreg s24  }
0xaf: {  	[dreg:$0x3] =	wrdreg s2  }
0xb0: {  	[dreg:$0x4] =	wrdreg $0x0  }
0xb1: {  	[dreg:$0x5] =	wrdreg $0x9  }
0xb2: {  	_ =	task.clear_ibuf [dreg:s7], $0x6FFFF;
	_ =	strace $0x9000004C  }
0xb3: {  	s29 =	simm.s32 $0x9;
	_ =	strace $0x8000004E  }
0xb4: {  	_ =	swait.ge [sflag:s29], $0x1  }
0xb5: {  	[sflag:s29] =	ssyncadd.s32 $0xFFFFFFFF  }
0xb6: {  	_ =	strace $0x9000004E  }
0xb7: {  	_ =	sfence  }
0xb8: {  	s30 =	sld [smem:$0x0];
	_ =	sdelay $0x2  }
0xb9: {  	s31 =	sshll.u32 s1, $0xD;
	s1 =	sshrl.u32 s1, $0x2  }
0xba: {  	s3 =	sand.u32 $0x4000, s31;
	s1 =	sadd.s32 s1, s30  }
0xbb: {  	s0 =	sor.u32 s3, s0;
	s1 =	sshll.u32 s1, $0x11  }
0xbc: {  	s0 =	sor.u32 s1, s0  }
0xbd: {  	s0 =	sadd.s32 $0x8F2B, s0  }
0xbe: {  	[sflag:s0] =	ssyncadd.remote.s32 $0x1  }
0xbf: {  	_ =	sfence.sel $0xFFFF  }
0xc0: {  	[dreg:$0x0] =	wrdreg $0xFFFFFFFF;
	(pc) =	sbr.abs _section_cstart, $3  }
0xc1: {  	[dreg:$0x1] =	wrdreg $0xFFFFFFFF  }
0xc2: {  	_ =	task.clear_ibuf [dreg:s7], $0x2FFFF;
	_ =	strace $0x9FFFFFFF  }
0xc3: {  	(tm) =	ssettm $0x7FFFFFFF  }
tec
execute0_lowered:
.L_overlay_start_1:
0x0: {  	(tag) =	ssettag $0x1  }
0x1: {  	s6 =	rddreg [dreg:$0x0]  }
0x2: {  	s1 =	srdreg.scid;
	s10 =	rddreg [dreg:$0x1]  }
0x3: {  	s0 =	stileid.u32;
	s2 =	rddreg [dreg:$0x2];
	s3 =	simm.s32 $0x0  }
0x4: {  	s15 =	simm.s32 $0x2;
	s16 =	simm.s32 $0x14000;
	s17 =	simm.s32 $0x16800  }
0x5: {  	s18 =	simm.s32 $0x80;
	s19 =	simm.s32 $0x1;
	s5 =	sand.u32 $0x1, s1  }
0x6: {  	s28 =	sshll.u32 s0, $0x1;
	s7 =	smul.u32 $0x2800, s0;
	[smem:$0x7FF] =	sst s3  }
0x7: {  	s9 =	smul.u32 $0x50000, s0;
	s4 =	sadd.s32 $0xF000, s6;
	s20 =	sshll.u32 s0, $0x6  }
0x8: {  	s1 =	sor.u32 s5, s28;
	s8 =	smul.u32 $0x28000, s5;
	s29 =	ssub.s32 $0x2, s5  }
0x9: {  	s20 =	sor.u32 $0x1C02, s20;
	s11 =	smul.u32 $0x500, s1;
	s1 =	rddreg [dreg:$0x3]  }
0xa: {  	_ =	strace $0x8000004D;
	s30 =	sshrl.u32 s9, $0x2;
	s31 =	sshrl.u32 s29, $0x1  }
0xb: {  	s7 =	sadd.s32 s7, s8;
	s5 =	sadd.s32 s30, s2;
	s14 =	ssub.s32 s29, s31  }
0xc: {  	s12 =	sadd.s32 s11, s6;
	s13 =	sadd.s32 s7, s6;
	s6 =	sadd.s32 $0x4000, s5  }
0xd: {  	s7 =	sadd.s32 $0x8000, s5;
	s8 =	sadd.s32 $0xC000, s5;
	s9 =	sadd.s32 $0x10000, s5  }
0xe: {  	s10 =	sadd.s32 s10, s11;
	s21 =	sshrl.u32 s5, $0x3;
	s11 =	sadd.s32 $0x5000, s12  }
0xf: {  	v0 =	vimm.f32 $0.0e+00;
	s12 =	sadd.s32 $0x36200, s13;
	s13 =	smax.u32 s14, $0x1;
	s14 =	simm.s32 $0x19000  }
.LBB2_1:
0x10: {  	s22 =	simm.s32 $0x0;
	s23 =	simm.s32 $0x200  }
.LBB2_2:
0x11: {  	p0 =	sne.s32 s23, $0xFE00;
	[tilespmem:s22+$0x19070] =	vst v0  }
0x12: {  	[tilespmem:s22+$0x19000] =	vst v0  }
0x13: {  	[tilespmem:s22+$0x19010] =	vst v0  }
.Ltmp0:
0x14: {  	[tilespmem:s22+$0x19020] =	vst v0;
	(pc) =	sbr.rel @p0 .LBB2_2-.Ltmp0, $4  }
0x15: {  	[tilespmem:s22+$0x19030] =	vst v0  }
0x16: {  	[tilespmem:s22+$0x19040] =	vst v0  }
0x17: {  	[tilespmem:s22+$0x19050] =	vst v0  }
0x18: {  	[tilespmem:s22+$0x19060] =	vst v0;
	s22 =	sshra.s32 s23, $0x2;
	s23 =	sadd.s32 $0x200, s23  }
0x19: {  	[tilespmem:s22+$0x19070] =	vst v0  }
0x1a: {  	[tilespmem:s22+$0x19000] =	vst v0  }
0x1b: {  	[tilespmem:s22+$0x19010] =	vst v0  }
0x1c: {  	[tilespmem:s22+$0x19020] =	vst v0  }
0x1d: {  	[tilespmem:s22+$0x19030] =	vst v0  }
0x1e: {  	[tilespmem:s22+$0x19040] =	vst v0  }
0x1f: {  	[tilespmem:s22+$0x19050] =	vst v0  }
0x20: {  	[tilespmem:s22+$0x19060] =	vst v0  }
0x21: {  	[spmem:s5] =	stream.linear.scatter [tilespmem:s14], [sflag:$0x2], $0x4000, $0x38;
	[tilespmem:$0x1D000] =	vst v63  }
0x22: {  	_ =	swait.ge [sflag:s15], $0x4000  }
0x23: {  	[sflag:s15] =	ssyncset.done $0x0  }
0x24: {  	[sflag:s15] =	ssyncadd.s32 $0xFFFFC000  }
0x25: {  	[spmem:s6] =	stream.linear.scatter [tilespmem:s14], [sflag:$0x2], $0x4000, $0x38;
	[tilespmem:$0x1D000] =	vst v63  }
0x26: {  	_ =	swait.ge [sflag:s15], $0x4000  }
0x27: {  	[sflag:s15] =	ssyncset.done $0x0  }
0x28: {  	[sflag:s15] =	ssyncadd.s32 $0xFFFFC000  }
0x29: {  	[spmem:s7] =	stream.linear.scatter [tilespmem:s14], [sflag:$0x2], $0x4000, $0x38;
	[tilespmem:$0x1D000] =	vst v63  }
0x2a: {  	_ =	swait.ge [sflag:s15], $0x4000  }
0x2b: {  	[sflag:s15] =	ssyncset.done $0x0  }
0x2c: {  	[sflag:s15] =	ssyncadd.s32 $0xFFFFC000  }
0x2d: {  	[spmem:s8] =	stream.linear.scatter [tilespmem:s14], [sflag:$0x2], $0x4000, $0x38;
	[tilespmem:$0x1D000] =	vst v63  }
0x2e: {  	_ =	swait.ge [sflag:s15], $0x4000  }
0x2f: {  	[sflag:s15] =	ssyncset.done $0x0  }
0x30: {  	[sflag:s15] =	ssyncadd.s32 $0xFFFFC000  }
0x31: {  	[spmem:s9] =	stream.linear.scatter [tilespmem:s14], [sflag:$0x2], $0x4000, $0x38;
	[tilespmem:$0x1D000] =	vst v63  }
0x32: {  	_ =	swait.ge [sflag:s15], $0x4000  }
0x33: {  	[sflag:s15] =	ssyncset.done $0x0  }
0x34: {  	[sflag:s15] =	ssyncadd.s32 $0xFFFFC000  }
0x35: {  	s29 =	simm.s32 $0x0;
	[bflag:$0x0] =	sbarrier.arrive $0xFFFF  }
0x36: {  	[tilespmem:s16], [sflag:$0x2] =	stream.linear.gather [hbm4b:s10+s29], $0x2780, $0x38;
	[tilespmem:$0x1D000] =	vst v63  }
0x37: {  	_ =	swait.ge [sflag:s15], $0x2780  }
0x38: {  	[sflag:s15] =	ssyncset.done $0x0  }
0x39: {  	[sflag:s15] =	ssyncadd.s32 $0xFFFFD880  }
0x3a: {  	[tilespmem:s17], [sflag:$0x2] =	stream.linear.gather [hbm4b:s11+s29], $0x2780, $0x38;
	[tilespmem:$0x1D000] =	vst v63  }
0x3b: {  	_ =	swait.ge [sflag:s15], $0x2780  }
0x3c: {  	[sflag:s15] =	ssyncset.done $0x0  }
0x3d: {  	s30 =	simm.s32 $0x14000;
	[sflag:s15] =	ssyncadd.s32 $0xFFFFD880  }
0x3e: {  	[tilespmem:s14], [sflag:$0x1] =	stream.indirect.gather [hbm4b:s4+s18], $0x80, s30, s18, $0xb8;
	[tilespmem:$0x1D000] =	vst v63  }
0x3f: {  	_ =	swait.ge [sflag:s19], $0x4000  }
0x40: {  	[sflag:s19] =	ssyncset.done $0x0  }
0x41: {  	s31 =	simm.s32 $0x16800;
	[sflag:s19] =	ssyncadd.s32 $0xFFFFC000  }
0x42: {  	[spmem:s2] =	stream.indirect.scatter.add.f32 [tilespmem:s14], [sflag:$0x2], $0x80, s31, s18, $0xb8;
	[tilespmem:$0x1D000] =	vst v63  }
0x43: {  	_ =	swait.ge [sflag:s15], $0x4000  }
0x44: {  	s23 =	simm.s32 $0x400;
	s22 =	simm.s32 $0x80;
	[sflag:s15] =	ssyncset.done $0x0  }
.LBB2_4:
0x45: {  	s24 =	sadd.s32 $0x14000, s22  }
0x46: {  	[sflag:s15] =	ssyncadd.s32 $0xFFFFC000;
	s25 =	smov.u32 s23;
	s26 =	sadd.s32 $0x200, s23  }
0x47: {  	[tilespmem:s14], [sflag:$0x1] =	stream.indirect.gather [hbm4b:s4+s18], $0x80, s24, s18, $0xb8;
	[tilespmem:$0x1D000] =	vst v63  }
0x48: {  	p0 =	sne.s32 s23, $0x9C00;
	_ =	swait.ge [sflag:s19], $0x4000  }
.Ltmp1:
0x49: {  	[sflag:s19] =	ssyncset.done $0x0;
	(pc) =	sbr.rel @p0 .LBB2_4-.Ltmp1, $4  }
0x4a: {  	s22 =	sadd.s32 $0x16800, s22;
	[sflag:s19] =	ssyncadd.s32 $0xFFFFC000  }
0x4b: {  	[spmem:s2] =	stream.indirect.scatter.add.f32 [tilespmem:s14], [sflag:$0x2], $0x80, s22, s18, $0xb8;
	[tilespmem:$0x1D000] =	vst v63  }
0x4c: {  	_ =	swait.ge [sflag:s15], $0x4000  }
0x4d: {  	s23 =	smov.u32 s26;
	s22 =	sshra.s32 s25, $0x2;
	[sflag:s15] =	ssyncset.done $0x0  }
0x4e: {  	s23 =	sadd.s32 $0x14000, s22;
	[sflag:s15] =	ssyncadd.s32 $0xFFFFC000  }
0x4f: {  	[tilespmem:s14], [sflag:$0x1] =	stream.indirect.gather [hbm4b:s4+s18], $0x80, s23, s18, $0xb8;
	[tilespmem:$0x1D000] =	vst v63  }
0x50: {  	_ =	swait.ge [sflag:s19], $0x4000  }
0x51: {  	[sflag:s19] =	ssyncset.done $0x0  }
0x52: {  	s31 =	sadd.s32 $0x16800, s22;
	[sflag:s19] =	ssyncadd.s32 $0xFFFFC000  }
0x53: {  	[spmem:s2] =	stream.indirect.scatter.add.f32 [tilespmem:s14], [sflag:$0x2], $0x80, s31, s18, $0xb8;
	[tilespmem:$0x1D000] =	vst v63  }
0x54: {  	_ =	swait.ge [sflag:s15], $0x4000  }
0x55: {  	s3 =	sadd.s32 $0x1, s3;
	[sflag:s15] =	ssyncset.done $0x0  }
0x56: {  	p0 =	sne.s32 s3, s13;
	[sflag:s15] =	ssyncadd.s32 $0xFFFFC000  }
.Ltmp2:
0x57: {  	[bflag:$0x0] =	sbarrier.arrive $0xFFFF;
	(pc) =	sbr.rel @p0 .LBB2_1-.Ltmp2, $4  }
0x58: {  	[hbm:s12], [sflag:s20] =	dma.local [spmem:s21], $0x2800  }
0x59: {  	_ =	swait.ge [sflag:s15], $0x2800  }
0x5a: {  	[sflag:s15] =	ssyncset.done $0x0  }
0x5b: {  	[sflag:s15] =	ssyncadd.s32 $0xFFFFD800  }
0x5c: {  	_ =	sfence.sel $0x180000  }
0x5d: {  	[bflag:$0x0] =	sbarrier.arrive $0xFFFF  }
0x5e: {  	p0 =	sne.s32 s0, $0x0;
	_ =	strace $0x9000004D  }
0x5f: {  	s0 =	sadd.s32 @!p0 $0x100000, s1;
	[bflag:$0x2] =	sbarrier.arrive $0xFFFF  }
0x60: {  	[sflag:s0] =	ssyncadd.tile.s32 @!p0 $0x1;
	_ =	shalt  }
.Lfunc_end2:
_tile_overlayer_lowered:
.L_overlay_start_2:
0x61: {  	(tag) =	ssettag $0x2  }
0x62: {  	s0 =	rddreg [dreg:$0x0];
	s2 =	stileid.u32  }
0x63: {  	s1 =	rddreg [dreg:$0x1];
	p0 =	sne.s32 s2, $0x0  }
0x64: {  	s3 =	rddreg [dreg:$0x2];
	[bflag:$0x3] =	sbarrier.arrive $0xFFFF;
	s2 =	simm.s32 @!p0 $0x1C02  }
0x65: {  	[timem:s3], [sflag:s2] =	dma.local @!p0 [hbm:s0], s1  }
0x66: {  	s0 =	simm.s32 @!p0 $0x2  }
0x67: {  	_ =	swait.ge @!p0 [sflag:s0], s1  }
0x68: {  	s1 =	ssub.s32 @!p0 $0x0, s1;
	[sflag:s0] =	ssyncset.done @!p0 $0x0  }
0x69: {  	[sflag:s0] =	ssyncadd.s32 @!p0 s1  }
0x6a: {  	[bflag:$0x3] =	sbarrier.arrive $0xFFFF  }
0x6b: {  	_ =	shalt  }

</sc_bundles>
